<compile_context>
chip_gen: v7x
topology: tpu7x:2x2x1
jax: 0.10.2.dev20260603
libtpu: 0.0.44.dev20260713+nightly
codegen_flags: <defaults>
</compile_context>

<pallas_src>
import functools

import jax
import jax.numpy as jnp
from jax import lax
from jax.experimental import pallas as pl
from jax.experimental.pallas import tpu as pltpu
from jax.experimental.pallas import tpu_sc as plsc

N = 50000
E = 800000
EPAD = 819200
NG = 64
HN = 64

NSC = 2
NTILE = 16
EPT = EPAD // NTILE
CE = 256
NCH = EPT // CE
IPR = 128
NB = CE // IPR
NPAD = 50048
TILE_N = NPAD // NTILE

EB = 4096
EBR = EB // 4
EP4 = EPAD // 4
TC1_GRID = EPAD // EB
LAST_EA_BLOCK = (E - 1) // EB
FIRST_MASKED_BLOCK = E // EB

XB = 1000
TC2_GRID = N // XB


def _tc1_body(ea_ref, w_ref, b_ref, out_ref):
    i = pl.program_id(0)

    def acts_from(ea):
        acc = jnp.dot(ea[0:EBR, :], w_ref[0, 0],
                      preferred_element_type=jnp.float32)
        for m in range(1, 4):
            acc = acc + jnp.dot(ea[m * EBR:(m + 1) * EBR, :], w_ref[0, m],
                                preferred_element_type=jnp.float32)
        return jnp.maximum(acc + b_ref[0], 0.0)

    @pl.when(i < FIRST_MASKED_BLOCK)
    def _():
        out_ref[0] = acts_from(ea_ref[...])

    @pl.when(i >= FIRST_MASKED_BLOCK)
    def _():
        in_rows = i * EB + lax.broadcasted_iota(jnp.int32, (EB, 16), 0)
        ea = jnp.where(in_rows < E, ea_ref[...], 0.0)
        acts = acts_from(ea)
        lanes = lax.broadcasted_iota(jnp.int32, (EBR, 128), 1)
        rows = lax.broadcasted_iota(jnp.int32, (EBR, 128), 0)
        edge = i * EB + (lanes // 32) * EBR + rows
        out_ref[0] = jnp.where(edge < E, acts, 0.0)


def _tc1_call(edge_attr, w2, b2):
    return pl.pallas_call(
        _tc1_body,
        grid=(TC1_GRID, NSC),
        in_specs=[
            pl.BlockSpec((EB, 16), lambda i, h: (jnp.minimum(i, LAST_EA_BLOCK), 0)),
            pl.BlockSpec((1, 4, 16, 128), lambda i, h: (h, 0, 0, 0)),
            pl.BlockSpec((1, 1, 128), lambda i, h: (h, 0, 0)),
        ],
        out_specs=pl.BlockSpec((1, EBR, 128), lambda i, h: (h, i, 0)),
        out_shape=jax.ShapeDtypeStruct((NSC, EP4, 128), jnp.float32),
    )(edge_attr, w2, b2)


def _sc_body(he, dstv, zeros, agg, table, rows0, rows1, idx0, idx1,
             sem_r0, sem_r1, sem_i0, sem_i1, sem_s, sem_init, sem_out):
    c = lax.axis_index("c")
    s = lax.axis_index("s")
    ebase = s * EPT
    rbase = s * (EPT // IPR)

    rows = (rows0, rows1)
    idx = (idx0, idx1)
    sem_r = (sem_r0, sem_r1)
    sem_i = (sem_i0, sem_i1)

    def start(j, b):
        pr = (ebase + j * CE) // 4
        for m in range(4):
            pltpu.async_copy(
                he.at[c, pl.ds(pr, CE // 4), pl.ds(32 * m, 32)],
                rows[b].at[pl.ds(m * (CE // 4), CE // 4), :],
                sem_r[b],
            )
        pltpu.async_copy(dstv.at[pl.ds(rbase + j * NB, NB), :], idx[b], sem_i[b])

    start(0, 0)
    start(1, 1)
    pltpu.async_copy(
        zeros.at[pl.ds(s * TILE_N, TILE_N), :],
        table.at[pl.ds(s * TILE_N, TILE_N), :],
        sem_init,
    ).wait()
    plsc.subcore_barrier()

    def chunk(j, b):
        pr = (ebase + j * CE) // 4
        for m in range(4):
            pltpu.make_async_copy(
                he.at[c, pl.ds(pr, CE // 4), pl.ds(32 * m, 32)],
                rows[b].at[pl.ds(m * (CE // 4), CE // 4), :],
                sem_r[b],
            ).wait()
        pltpu.make_async_copy(
            dstv.at[pl.ds(rbase + j * NB, NB), :], idx[b], sem_i[b]
        ).wait()
        descs = [
            pltpu.async_copy(
                rows[b].at[pl.ds(k * IPR, IPR), :],
                table.at[idx[b].at[k]],
                sem_s,
                add=True,
            )
            for k in range(NB)
        ]
        for d in descs:
            d.wait()

        @pl.when(j + 2 < NCH)
        def _():
            start(j + 2, b)

    def body(jj, carry):
        chunk(2 * jj, 0)
        chunk(2 * jj + 1, 1)
        return carry

    lax.fori_loop(0, NCH // 2, body, 0)

    plsc.subcore_barrier()
    pltpu.async_copy(
        table.at[pl.ds(s * TILE_N, TILE_N), :],
        agg.at[c, pl.ds(s * TILE_N, TILE_N), :],
        sem_out,
    ).wait()


def _sc_call(he, dstv, zeros):
    mesh = plsc.VectorSubcoreMesh(
        core_axis_name="c", subcore_axis_name="s",
        num_cores=NSC, num_subcores=NTILE,
    )
    fn = functools.partial(
        pl.kernel,
        mesh=mesh,
        compiler_params=pltpu.CompilerParams(use_tc_tiling_on_sc=False),
        out_type=jax.ShapeDtypeStruct((NSC, NPAD, 32), jnp.float32),
        scratch_types=[
            pltpu.VMEM_SHARED((NPAD, 32), jnp.float32),
            pltpu.VMEM((CE, 32), jnp.float32),
            pltpu.VMEM((CE, 32), jnp.float32),
            pltpu.VMEM((NB, IPR), jnp.int32),
            pltpu.VMEM((NB, IPR), jnp.int32),
            pltpu.SemaphoreType.DMA,
            pltpu.SemaphoreType.DMA,
            pltpu.SemaphoreType.DMA,
            pltpu.SemaphoreType.DMA,
            pltpu.SemaphoreType.DMA,
            pltpu.SemaphoreType.DMA,
            pltpu.SemaphoreType.DMA,
        ],
    )(_sc_body)
    return fn(he, dstv, zeros)


def _tc2_body(x_ref, agg_ref, batch_ref, wnn_ref, bnn_ref, wun_ref, bun_ref,
              wpred_ref, bpred_ref, out_ref, sums_ref, cnt_ref):
    i = pl.program_id(0)
    hn = jnp.dot(x_ref[...], wnn_ref[...], preferred_element_type=jnp.float32)
    hn = jnp.maximum(hn + bnn_ref[...], 0.0)
    aggb = jnp.concatenate([agg_ref[0], agg_ref[1]], axis=1)
    h = (jnp.dot(hn, wun_ref[0:HN, :], preferred_element_type=jnp.float32)
         + jnp.dot(aggb, wun_ref[HN:2 * HN, :], preferred_element_type=jnp.float32)
         + bun_ref[...])
    h = jnp.maximum(h, 0.0)
    bb = batch_ref[0, 0, :]
    onehot = (bb[:, None] == lax.broadcasted_iota(jnp.int32, (XB, NG), 1))
    onehot = onehot.astype(jnp.float32)
    psum = lax.dot_general(onehot, h, (((0,), (0,)), ((), ())),
                           preferred_element_type=jnp.float32)
    pcnt = lax.dot_general(onehot, jnp.ones((XB, 1), jnp.float32),
                           (((0,), (0,)), ((), ())),
                           preferred_element_type=jnp.float32)

    @pl.when(i == 0)
    def _():
        sums_ref[...] = psum
        cnt_ref[...] = pcnt

    @pl.when(i > 0)
    def _():
        sums_ref[...] += psum
        cnt_ref[...] += pcnt

    @pl.when(i == TC2_GRID - 1)
    def _():
        hg = sums_ref[...] / jnp.maximum(cnt_ref[...], 1.0)
        out_ref[...] = (jnp.dot(hg, wpred_ref[...],
                                preferred_element_type=jnp.float32)
                        + bpred_ref[...])


def _tc2_call(x, agg, batch3, w_nn, b_nn, w_un, b_un, w_pred, b_pred):
    return pl.pallas_call(
        _tc2_body,
        grid=(TC2_GRID,),
        in_specs=[
            pl.BlockSpec((XB, 128), lambda i: (i, 0)),
            pl.BlockSpec((NSC, XB, 32), lambda i: (0, i, 0)),
            pl.BlockSpec((1, 1, XB), lambda i: (i, 0, 0)),
            pl.BlockSpec((128, HN), lambda i: (0, 0)),
            pl.BlockSpec((1, HN), lambda i: (0, 0)),
            pl.BlockSpec((2 * HN, HN), lambda i: (0, 0)),
            pl.BlockSpec((1, HN), lambda i: (0, 0)),
            pl.BlockSpec((HN, 1), lambda i: (0, 0)),
            pl.BlockSpec((1, 1), lambda i: (0, 0)),
        ],
        out_specs=pl.BlockSpec((NG, 1), lambda i: (0, 0)),
        out_shape=jax.ShapeDtypeStruct((NG, 1), jnp.float32),
        scratch_shapes=[
            pltpu.VMEM((NG, NG), jnp.float32),
            pltpu.VMEM((NG, 1), jnp.float32),
        ],
    )(x, agg, batch3, w_nn, b_nn, w_un, b_un, w_pred, b_pred)


def kernel(x, edge_index, edge_attr, batch, params):
    p0 = params['layers'][0]
    dst = edge_index[1].astype(jnp.int32)
    dst2d = jnp.pad(dst.reshape(E // IPR, IPR), ((0, (EPAD - E) // IPR), (0, 0)))
    dstv = (dst2d.reshape(TC1_GRID, 4, 16, 64)
            .transpose(0, 2, 1, 3)
            .reshape(EPAD // IPR, IPR))

    w4 = jnp.zeros((NSC, 4, 16, 128), jnp.float32)
    for c in range(NSC):
        half = p0['W_en'][:, c * 32:(c + 1) * 32]
        for m in range(4):
            w4 = w4.at[c, m, :, m * 32:(m + 1) * 32].set(half)
    b2 = jnp.stack([jnp.tile(p0['b_en'][c * 32:(c + 1) * 32], 4).reshape(1, 128)
                    for c in range(NSC)])
    he = _tc1_call(edge_attr, w4, b2)
    zeros = jnp.zeros((NPAD, 32), jnp.float32)
    agg = _sc_call(he, dstv, zeros)

    batch3 = batch.astype(jnp.int32).reshape(TC2_GRID, 1, XB)
    out = _tc2_call(
        x, agg, batch3,
        p0['W_nn'], p0['b_nn'].reshape(1, HN),
        p0['W_un'], p0['b_un'].reshape(1, HN),
        params['W_pred'], params['b_pred'].reshape(1, 1),
    )
    return out.reshape(-1)

# --- scband reference (transcript-rebuilt; emitter-appended) ---
"""Pipeline reference for scband-dmpnn-34308198761180 (READ-ONLY COPY).

The authoritative reference and input builder live on the scoring server;
editing this copy changes nothing except your own understanding.
"""

import jax, jax.numpy as jnp
import numpy as np

N = 50000
E = 800000
NODE_DIM = 128
EDGE_DIM = 16
HN = 64
HE = 64
NUM_LAYERS = 4
NUM_GRAPHS = 64
OUT_DIM = 1


def _glorot(key, shape):
    lim = np.sqrt(6.0 / (shape[0] + shape[1]))
    return jax.random.uniform(key, shape, jnp.float32, -lim, lim)


def _weave_params(key, in_n, in_e, hn, he):
    ks = jax.random.split(key, 7)
    return {
        'W_nn': _glorot(ks[0], (in_n, hn)), 'b_nn': jnp.zeros((hn,), jnp.float32),
        'W_en': _glorot(ks[1], (in_e, hn)), 'b_en': jnp.zeros((hn,), jnp.float32),
        'W_un': _glorot(ks[2], (2 * hn, hn)), 'b_un': jnp.zeros((hn,), jnp.float32),
        'W_sn': _glorot(ks[3], (in_n, he)), 'b_sn': jnp.zeros((he,), jnp.float32),
        'W_dn': _glorot(ks[4], (in_n, he)), 'b_dn': jnp.zeros((he,), jnp.float32),
        'W_ee': _glorot(ks[5], (in_e, he)), 'b_ee': jnp.zeros((he,), jnp.float32),
        'W_ue': _glorot(ks[6], (3 * he, he)), 'b_ue': jnp.zeros((he,), jnp.float32),
    }


def setup_inputs(seed: int = 0) -> dict:
    key = jax.random.key(seed)
    ks = jax.random.split(key, 12)
    x = jax.random.normal(ks[0], (N, NODE_DIM), dtype=jnp.float32)
    edge_index = jax.random.randint(ks[1], (2, E), 0, N)
    edge_attr = jax.random.normal(ks[2], (E, EDGE_DIM), dtype=jnp.float32)
    batch = jnp.sort(jax.random.randint(ks[3], (N,), 0, NUM_GRAPHS))
    layers = []
    for l in range(NUM_LAYERS):
        if l == 0:
            layers.append(_weave_params(ks[4 + l], NODE_DIM, EDGE_DIM, HN, HE))
        else:
            layers.append(_weave_params(ks[4 + l], HN, HE, HN, HE))
    params = {
        'layers': layers,
        'W_pred': _glorot(ks[10], (HN, OUT_DIM)),
        'b_pred': jnp.zeros((OUT_DIM,), jnp.float32),
    }
    return {'x': x, 'edge_index': edge_index, 'edge_attr': edge_attr, 'batch': batch, 'params': params}


def _weave_layer(p, x, edge_index, edge_attr, n_nodes):
    src = edge_index[0]
    dst = edge_index[1]
    hn = jax.nn.relu(x @ p['W_nn'] + p['b_nn'])
    he2n = jax.nn.relu(edge_attr @ p['W_en'] + p['b_en'])
    agg = jax.ops.segment_sum(he2n, dst, num_segments=n_nodes)
    new_x = jax.nn.relu(jnp.concatenate([hn, agg], axis=-1) @ p['W_un'] + p['b_un'])
    hsrc = jax.nn.relu(jnp.take(x, src, axis=0) @ p['W_sn'] + p['b_sn'])
    hdst = jax.nn.relu(jnp.take(x, dst, axis=0) @ p['W_dn'] + p['b_dn'])
    hee = jax.nn.relu(edge_attr @ p['W_ee'] + p['b_ee'])
    new_e = jax.nn.relu(jnp.concatenate([hsrc, hdst, hee], axis=-1) @ p['W_ue'] + p['b_ue'])
    return new_x, new_e


def reference(x, edge_index, edge_attr, batch, params):
    # Faithful to the torch forward, including the quirk that node features h
    # are only updated by the FIRST layer; later layers write to a discarded
    # temporary (h_temp) while edge_attr keeps being updated.
    h = x
    not_first_it = False
    for l in range(NUM_LAYERS):
        if not_first_it:
            h_temp, edge_attr = _weave_layer(params['layers'][l], h, edge_index, edge_attr, N)
        else:
            h, edge_attr = _weave_layer(params['layers'][l], h, edge_index, edge_attr, N)
            not_first_it = True
    # global_mean_pool over batch assignment
    sums = jax.ops.segment_sum(h, batch, num_segments=NUM_GRAPHS)
    counts = jax.ops.segment_sum(jnp.ones((h.shape[0], 1), h.dtype), batch, num_segments=NUM_GRAPHS)
    h_graph = sums / jnp.maximum(counts, 1.0)
    out = h_graph @ params['W_pred'] + params['b_pred']
    return out.reshape(-1)

if __name__ == "__main__":
    import jax
    _d = setup_inputs()
    print(jax.jit(kernel)(*tuple(_d.values())))

</pallas_src>

<mosaic_0001>
#map = affine_map<(d0, d1) -> (0, 0, 0)>
#map1 = affine_map<(d0, d1) -> (0, 0)>
module attributes {stable_mosaic.version = 14 : i64} {
  func.func @_sc_body(%arg0: i32, %arg1: i32, %arg2: memref<2x204800x128xf32, #tpu.memory_space<hbm>>, %arg3: memref<6400x128xi32, #tpu.memory_space<hbm>>, %arg4: memref<50048x32xf32, #tpu.memory_space<hbm>>, %arg5: memref<2x50048x32xf32, #tpu.memory_space<hbm>>, %arg6: memref<50048x32xf32, #tpu.memory_space<vmem_shared>>, %arg7: memref<256x32xf32, #tpu.memory_space<vmem>>, %arg8: memref<256x32xf32, #tpu.memory_space<vmem>>, %arg9: memref<2x128xi32, #tpu.memory_space<vmem>>, %arg10: memref<2x128xi32, #tpu.memory_space<vmem>>, %arg11: memref<!tpu.dma_semaphore, #tpu.memory_space<semaphore_mem>>, %arg12: memref<!tpu.dma_semaphore, #tpu.memory_space<semaphore_mem>>, %arg13: memref<!tpu.dma_semaphore, #tpu.memory_space<semaphore_mem>>, %arg14: memref<!tpu.dma_semaphore, #tpu.memory_space<semaphore_mem>>, %arg15: memref<!tpu.dma_semaphore, #tpu.memory_space<semaphore_mem>>, %arg16: memref<!tpu.dma_semaphore, #tpu.memory_space<semaphore_mem>>, %arg17: memref<!tpu.dma_semaphore, #tpu.memory_space<semaphore_mem>>) attributes {dimension_semantics = [#tpu.dimension_semantics<core_parallel>, #tpu.dimension_semantics<subcore_parallel>], iteration_bounds = array<i64: 2, 16>, scalar_prefetch = 0 : i64, scratch_operands = 12 : i64, tpu.core_type = #tpu.core_type<sc_vector_subcore>, window_params = [{transform_indices = #map}, {transform_indices = #map1}, {transform_indices = #map1}, {transform_indices = #map}]} {
    %mul3A = arith.constant 51200 : i32
    %mul3A_0 = arith.muli %arg1, %mul3A : i32
    %mul3A_1 = arith.constant 400 : i32
    %mul3A_2 = arith.muli %arg1, %mul3A_1 : i32
    %add3A = arith.constant 0 : i32
    %add3A_3 = arith.addi %mul3A_0, %add3A : i32
    %jit3A = arith.constant 4 : i32
    %div3A = arith.divsi %add3A_3, %jit3A : i32
    %sign3A = arith.constant 0 : i32
    %sign3A_4 = arith.cmpi sgt, %add3A_3, %sign3A : i32
    %sign3A_5 = arith.extui %sign3A_4 : i1 to i32
    %sign3A_6 = arith.constant 0 : i32
    %sign3A_7 = arith.cmpi slt, %add3A_3, %sign3A_6 : i32
    %sign3A_8 = arith.extui %sign3A_7 : i1 to i32
    %sign3A_9 = arith.subi %sign3A_5, %sign3A_8 : i32
    %sign3A_10 = arith.constant 0 : i32
    %sign3A_11 = arith.cmpi sgt, %jit3A, %sign3A_10 : i32
    %sign3A_12 = arith.extui %sign3A_11 : i1 to i32
    %sign3A_13 = arith.constant 0 : i32
    %sign3A_14 = arith.cmpi slt, %jit3A, %sign3A_13 : i32
    %sign3A_15 = arith.extui %sign3A_14 : i1 to i32
    %sign3A_16 = arith.subi %sign3A_12, %sign3A_15 : i32
    %ne3A = arith.cmpi ne, %sign3A_9, %sign3A_16 : i32
    %rem3A = arith.remsi %add3A_3, %jit3A : i32
    %ne3A_17 = arith.constant 0 : i32
    %ne3A_18 = arith.cmpi ne, %rem3A, %ne3A_17 : i32
    %and3A = arith.andi %ne3A, %ne3A_18 : i1
    %sub3A = arith.constant 1 : i32
    %sub3A_19 = arith.subi %div3A, %sub3A : i32
    %select_n3A = arith.select %and3A, %sub3A_19, %div3A : i32
    %dma_start3A = arith.constant 0 : i32
    %dma_start3A_20 = arith.constant 0 : i32
    %dma_start3A_21 = tpu.memref_slice %arg7[%dma_start3A, %dma_start3A_20] : memref<256x32xf32, #tpu.memory_space<vmem>> -> memref<64x32xf32, #tpu.memory_space<vmem>>
    %dma_start3A_22 = arith.constant 0 : i32
    %dma_start3A_23 = tpu.memref_slice %arg2[%arg0, %select_n3A, %dma_start3A_22] : memref<2x204800x128xf32, #tpu.memory_space<hbm>> -> memref<1x64x32xf32, #tpu.memory_space<hbm>>
    %dma_start3A_24 = tpu.memref_squeeze %dma_start3A_23 : memref<1x64x32xf32, #tpu.memory_space<hbm>> -> memref<64x32xf32, #tpu.memory_space<hbm>>
    %dma_start3A_25 = arith.constant 0 : i32
    %dma_start3A_26 = arith.constant 0 : i32
    %dma_start3A_27 = tpu.memref_slice %arg7[%dma_start3A_25, %dma_start3A_26] : memref<256x32xf32, #tpu.memory_space<vmem>> -> memref<64x32xf32, #tpu.memory_space<vmem>>
    %dma_start3A_28 = arith.constant 0 : i32
    %dma_start3A_29 = tpu.memref_slice %arg2[%arg0, %select_n3A, %dma_start3A_28] : memref<2x204800x128xf32, #tpu.memory_space<hbm>> -> memref<1x64x32xf32, #tpu.memory_space<hbm>>
    %dma_start3A_30 = tpu.memref_squeeze %dma_start3A_29 : memref<1x64x32xf32, #tpu.memory_space<hbm>> -> memref<64x32xf32, #tpu.memory_space<hbm>>
    tpu.enqueue_dma source(%dma_start3A_30 : memref<64x32xf32, #tpu.memory_space<hbm>>) target(%dma_start3A_27 : memref<64x32xf32, #tpu.memory_space<vmem>>) target_semaphore(%arg11 : memref<!tpu.dma_semaphore, #tpu.memory_space<semaphore_mem>>)
    %dma_start3A_31 = arith.constant 64 : i32
    %dma_start3A_32 = arith.constant 0 : i32
    %dma_start3A_33 = tpu.memref_slice %arg7[%dma_start3A_31, %dma_start3A_32] : memref<256x32xf32, #tpu.memory_space<vmem>> -> memref<64x32xf32, #tpu.memory_space<vmem>>
    %dma_start3A_34 = arith.constant 32 : i32
    %dma_start3A_35 = tpu.memref_slice %arg2[%arg0, %select_n3A, %dma_start3A_34] : memref<2x204800x128xf32, #tpu.memory_space<hbm>> -> memref<1x64x32xf32, #tpu.memory_space<hbm>>
    %dma_start3A_36 = tpu.memref_squeeze %dma_start3A_35 : memref<1x64x32xf32, #tpu.memory_space<hbm>> -> memref<64x32xf32, #tpu.memory_space<hbm>>
    %dma_start3A_37 = arith.constant 64 : i32
    %dma_start3A_38 = arith.constant 0 : i32
    %dma_start3A_39 = tpu.memref_slice %arg7[%dma_start3A_37, %dma_start3A_38] : memref<256x32xf32, #tpu.memory_space<vmem>> -> memref<64x32xf32, #tpu.memory_space<vmem>>
    %dma_start3A_40 = arith.constant 32 : i32
    %dma_start3A_41 = tpu.memref_slice %arg2[%arg0, %select_n3A, %dma_start3A_40] : memref<2x204800x128xf32, #tpu.memory_space<hbm>> -> memref<1x64x32xf32, #tpu.memory_space<hbm>>
    %dma_start3A_42 = tpu.memref_squeeze %dma_start3A_41 : memref<1x64x32xf32, #tpu.memory_space<hbm>> -> memref<64x32xf32, #tpu.memory_space<hbm>>
    tpu.enqueue_dma source(%dma_start3A_42 : memref<64x32xf32, #tpu.memory_space<hbm>>) target(%dma_start3A_39 : memref<64x32xf32, #tpu.memory_space<vmem>>) target_semaphore(%arg11 : memref<!tpu.dma_semaphore, #tpu.memory_space<semaphore_mem>>)
    %dma_start3A_43 = arith.constant 128 : i32
    %dma_start3A_44 = arith.constant 0 : i32
    %dma_start3A_45 = tpu.memref_slice %arg7[%dma_start3A_43, %dma_start3A_44] : memref<256x32xf32, #tpu.memory_space<vmem>> -> memref<64x32xf32, #tpu.memory_space<vmem>>
    %dma_start3A_46 = arith.constant 64 : i32
    %dma_start3A_47 = tpu.memref_slice %arg2[%arg0, %select_n3A, %dma_start3A_46] : memref<2x204800x128xf32, #tpu.memory_space<hbm>> -> memref<1x64x32xf32, #tpu.memory_space<hbm>>
    %dma_start3A_48 = tpu.memref_squeeze %dma_start3A_47 : memref<1x64x32xf32, #tpu.memory_space<hbm>> -> memref<64x32xf32, #tpu.memory_space<hbm>>
    %dma_start3A_49 = arith.constant 128 : i32
    %dma_start3A_50 = arith.constant 0 : i32
    %dma_start3A_51 = tpu.memref_slice %arg7[%dma_start3A_49, %dma_start3A_50] : memref<256x32xf32, #tpu.memory_space<vmem>> -> memref<64x32xf32, #tpu.memory_space<vmem>>
    %dma_start3A_52 = arith.constant 64 : i32
    %dma_start3A_53 = tpu.memref_slice %arg2[%arg0, %select_n3A, %dma_start3A_52] : memref<2x204800x128xf32, #tpu.memory_space<hbm>> -> memref<1x64x32xf32, #tpu.memory_space<hbm>>
    %dma_start3A_54 = tpu.memref_squeeze %dma_start3A_53 : memref<1x64x32xf32, #tpu.memory_space<hbm>> -> memref<64x32xf32, #tpu.memory_space<hbm>>
    tpu.enqueue_dma source(%dma_start3A_54 : memref<64x32xf32, #tpu.memory_space<hbm>>) target(%dma_start3A_51 : memref<64x32xf32, #tpu.memory_space<vmem>>) target_semaphore(%arg11 : memref<!tpu.dma_semaphore, #tpu.memory_space<semaphore_mem>>)
    %dma_start3A_55 = arith.constant 192 : i32
    %dma_start3A_56 = arith.constant 0 : i32
    %dma_start3A_57 = tpu.memref_slice %arg7[%dma_start3A_55, %dma_start3A_56] : memref<256x32xf32, #tpu.memory_space<vmem>> -> memref<64x32xf32, #tpu.memory_space<vmem>>
    %dma_start3A_58 = arith.constant 96 : i32
    %dma_start3A_59 = tpu.memref_slice %arg2[%arg0, %select_n3A, %dma_start3A_58] : memref<2x204800x128xf32, #tpu.memory_space<hbm>> -> memref<1x64x32xf32, #tpu.memory_space<hbm>>
    %dma_start3A_60 = tpu.memref_squeeze %dma_start3A_59 : memref<1x64x32xf32, #tpu.memory_space<hbm>> -> memref<64x32xf32, #tpu.memory_space<hbm>>
    %dma_start3A_61 = arith.constant 192 : i32
    %dma_start3A_62 = arith.constant 0 : i32
    %dma_start3A_63 = tpu.memref_slice %arg7[%dma_start3A_61, %dma_start3A_62] : memref<256x32xf32, #tpu.memory_space<vmem>> -> memref<64x32xf32, #tpu.memory_space<vmem>>
    %dma_start3A_64 = arith.constant 96 : i32
    %dma_start3A_65 = tpu.memref_slice %arg2[%arg0, %select_n3A, %dma_start3A_64] : memref<2x204800x128xf32, #tpu.memory_space<hbm>> -> memref<1x64x32xf32, #tpu.memory_space<hbm>>
    %dma_start3A_66 = tpu.memref_squeeze %dma_start3A_65 : memref<1x64x32xf32, #tpu.memory_space<hbm>> -> memref<64x32xf32, #tpu.memory_space<hbm>>
    tpu.enqueue_dma source(%dma_start3A_66 : memref<64x32xf32, #tpu.memory_space<hbm>>) target(%dma_start3A_63 : memref<64x32xf32, #tpu.memory_space<vmem>>) target_semaphore(%arg11 : memref<!tpu.dma_semaphore, #tpu.memory_space<semaphore_mem>>)
    %add3A_67 = arith.constant 0 : i32
    %add3A_68 = arith.addi %mul3A_2, %add3A_67 : i32
    %dma_start3A_69 = arith.constant 0 : i32
    %dma_start3A_70 = tpu.memref_slice %arg3[%add3A_68, %dma_start3A_69] : memref<6400x128xi32, #tpu.memory_space<hbm>> -> memref<2x128xi32, #tpu.memory_space<hbm>>
    %dma_start3A_71 = arith.constant 0 : i32
    %dma_start3A_72 = tpu.memref_slice %arg3[%add3A_68, %dma_start3A_71] : memref<6400x128xi32, #tpu.memory_space<hbm>> -> memref<2x128xi32, #tpu.memory_space<hbm>>
    tpu.enqueue_dma source(%dma_start3A_72 : memref<2x128xi32, #tpu.memory_space<hbm>>) target(%arg9 : memref<2x128xi32, #tpu.memory_space<vmem>>) target_semaphore(%arg13 : memref<!tpu.dma_semaphore, #tpu.memory_space<semaphore_mem>>)
    %add3A_73 = arith.constant 256 : i32
    %add3A_74 = arith.addi %mul3A_0, %add3A_73 : i32
    %jit3A_75 = arith.constant 4 : i32
    %div3A_76 = arith.divsi %add3A_74, %jit3A_75 : i32
    %sign3A_77 = arith.constant 0 : i32
    %sign3A_78 = arith.cmpi sgt, %add3A_74, %sign3A_77 : i32
    %sign3A_79 = arith.extui %sign3A_78 : i1 to i32
    %sign3A_80 = arith.constant 0 : i32
    %sign3A_81 = arith.cmpi slt, %add3A_74, %sign3A_80 : i32
    %sign3A_82 = arith.extui %sign3A_81 : i1 to i32
    %sign3A_83 = arith.subi %sign3A_79, %sign3A_82 : i32
    %sign3A_84 = arith.constant 0 : i32
    %sign3A_85 = arith.cmpi sgt, %jit3A_75, %sign3A_84 : i32
    %sign3A_86 = arith.extui %sign3A_85 : i1 to i32
    %sign3A_87 = arith.constant 0 : i32
    %sign3A_88 = arith.cmpi slt, %jit3A_75, %sign3A_87 : i32
    %sign3A_89 = arith.extui %sign3A_88 : i1 to i32
    %sign3A_90 = arith.subi %sign3A_86, %sign3A_89 : i32
    %ne3A_91 = arith.cmpi ne, %sign3A_83, %sign3A_90 : i32
    %rem3A_92 = arith.remsi %add3A_74, %jit3A_75 : i32
    %ne3A_93 = arith.constant 0 : i32
    %ne3A_94 = arith.cmpi ne, %rem3A_92, %ne3A_93 : i32
    %and3A_95 = arith.andi %ne3A_91, %ne3A_94 : i1
    %sub3A_96 = arith.constant 1 : i32
    %sub3A_97 = arith.subi %div3A_76, %sub3A_96 : i32
    %select_n3A_98 = arith.select %and3A_95, %sub3A_97, %div3A_76 : i32
    %dma_start3A_99 = arith.constant 0 : i32
    %dma_start3A_100 = arith.constant 0 : i32
    %dma_start3A_101 = tpu.memref_slice %arg8[%dma_start3A_99, %dma_start3A_100] : memref<256x32xf32, #tpu.memory_space<vmem>> -> memref<64x32xf32, #tpu.memory_space<vmem>>
    %dma_start3A_102 = arith.constant 0 : i32
    %dma_start3A_103 = tpu.memref_slice %arg2[%arg0, %select_n3A_98, %dma_start3A_102] : memref<2x204800x128xf32, #tpu.memory_space<hbm>> -> memref<1x64x32xf32, #tpu.memory_space<hbm>>
    %dma_start3A_104 = tpu.memref_squeeze %dma_start3A_103 : memref<1x64x32xf32, #tpu.memory_space<hbm>> -> memref<64x32xf32, #tpu.memory_space<hbm>>
    %dma_start3A_105 = arith.constant 0 : i32
    %dma_start3A_106 = arith.constant 0 : i32
    %dma_start3A_107 = tpu.memref_slice %arg8[%dma_start3A_105, %dma_start3A_106] : memref<256x32xf32, #tpu.memory_space<vmem>> -> memref<64x32xf32, #tpu.memory_space<vmem>>
    %dma_start3A_108 = arith.constant 0 : i32
    %dma_start3A_109 = tpu.memref_slice %arg2[%arg0, %select_n3A_98, %dma_start3A_108] : memref<2x204800x128xf32, #tpu.memory_space<hbm>> -> memref<1x64x32xf32, #tpu.memory_space<hbm>>
    %dma_start3A_110 = tpu.memref_squeeze %dma_start3A_109 : memref<1x64x32xf32, #tpu.memory_space<hbm>> -> memref<64x32xf32, #tpu.memory_space<hbm>>
    tpu.enqueue_dma source(%dma_start3A_110 : memref<64x32xf32, #tpu.memory_space<hbm>>) target(%dma_start3A_107 : memref<64x32xf32, #tpu.memory_space<vmem>>) target_semaphore(%arg12 : memref<!tpu.dma_semaphore, #tpu.memory_space<semaphore_mem>>)
    %dma_start3A_111 = arith.constant 64 : i32
    %dma_start3A_112 = arith.constant 0 : i32
    %dma_start3A_113 = tpu.memref_slice %arg8[%dma_start3A_111, %dma_start3A_112] : memref<256x32xf32, #tpu.memory_space<vmem>> -> memref<64x32xf32, #tpu.memory_space<vmem>>
    %dma_start3A_114 = arith.constant 32 : i32
    %dma_start3A_115 = tpu.memref_slice %arg2[%arg0, %select_n3A_98, %dma_start3A_114] : memref<2x204800x128xf32, #tpu.memory_space<hbm>> -> memref<1x64x32xf32, #tpu.memory_space<hbm>>
    %dma_start3A_116 = tpu.memref_squeeze %dma_start3A_115 : memref<1x64x32xf32, #tpu.memory_space<hbm>> -> memref<64x32xf32, #tpu.memory_space<hbm>>
    %dma_start3A_117 = arith.constant 64 : i32
    %dma_start3A_118 = arith.constant 0 : i32
    %dma_start3A_119 = tpu.memref_slice %arg8[%dma_start3A_117, %dma_start3A_118] : memref<256x32xf32, #tpu.memory_space<vmem>> -> memref<64x32xf32, #tpu.memory_space<vmem>>
    %dma_start3A_120 = arith.constant 32 : i32
    %dma_start3A_121 = tpu.memref_slice %arg2[%arg0, %select_n3A_98, %dma_start3A_120] : memref<2x204800x128xf32, #tpu.memory_space<hbm>> -> memref<1x64x32xf32, #tpu.memory_space<hbm>>
    %dma_start3A_122 = tpu.memref_squeeze %dma_start3A_121 : memref<1x64x32xf32, #tpu.memory_space<hbm>> -> memref<64x32xf32, #tpu.memory_space<hbm>>
    tpu.enqueue_dma source(%dma_start3A_122 : memref<64x32xf32, #tpu.memory_space<hbm>>) target(%dma_start3A_119 : memref<64x32xf32, #tpu.memory_space<vmem>>) target_semaphore(%arg12 : memref<!tpu.dma_semaphore, #tpu.memory_space<semaphore_mem>>)
    %dma_start3A_123 = arith.constant 128 : i32
    %dma_start3A_124 = arith.constant 0 : i32
    %dma_start3A_125 = tpu.memref_slice %arg8[%dma_start3A_123, %dma_start3A_124] : memref<256x32xf32, #tpu.memory_space<vmem>> -> memref<64x32xf32, #tpu.memory_space<vmem>>
    %dma_start3A_126 = arith.constant 64 : i32
    %dma_start3A_127 = tpu.memref_slice %arg2[%arg0, %select_n3A_98, %dma_start3A_126] : memref<2x204800x128xf32, #tpu.memory_space<hbm>> -> memref<1x64x32xf32, #tpu.memory_space<hbm>>
    %dma_start3A_128 = tpu.memref_squeeze %dma_start3A_127 : memref<1x64x32xf32, #tpu.memory_space<hbm>> -> memref<64x32xf32, #tpu.memory_space<hbm>>
    %dma_start3A_129 = arith.constant 128 : i32
    %dma_start3A_130 = arith.constant 0 : i32
    %dma_start3A_131 = tpu.memref_slice %arg8[%dma_start3A_129, %dma_start3A_130] : memref<256x32xf32, #tpu.memory_space<vmem>> -> memref<64x32xf32, #tpu.memory_space<vmem>>
    %dma_start3A_132 = arith.constant 64 : i32
    %dma_start3A_133 = tpu.memref_slice %arg2[%arg0, %select_n3A_98, %dma_start3A_132] : memref<2x204800x128xf32, #tpu.memory_space<hbm>> -> memref<1x64x32xf32, #tpu.memory_space<hbm>>
    %dma_start3A_134 = tpu.memref_squeeze %dma_start3A_133 : memref<1x64x32xf32, #tpu.memory_space<hbm>> -> memref<64x32xf32, #tpu.memory_space<hbm>>
    tpu.enqueue_dma source(%dma_start3A_134 : memref<64x32xf32, #tpu.memory_space<hbm>>) target(%dma_start3A_131 : memref<64x32xf32, #tpu.memory_space<vmem>>) target_semaphore(%arg12 : memref<!tpu.dma_semaphore, #tpu.memory_space<semaphore_mem>>)
    %dma_start3A_135 = arith.constant 192 : i32
    %dma_start3A_136 = arith.constant 0 : i32
    %dma_start3A_137 = tpu.memref_slice %arg8[%dma_start3A_135, %dma_start3A_136] : memref<256x32xf32, #tpu.memory_space<vmem>> -> memref<64x32xf32, #tpu.memory_space<vmem>>
    %dma_start3A_138 = arith.constant 96 : i32
    %dma_start3A_139 = tpu.memref_slice %arg2[%arg0, %select_n3A_98, %dma_start3A_138] : memref<2x204800x128xf32, #tpu.memory_space<hbm>> -> memref<1x64x32xf32, #tpu.memory_space<hbm>>
    %dma_start3A_140 = tpu.memref_squeeze %dma_start3A_139 : memref<1x64x32xf32, #tpu.memory_space<hbm>> -> memref<64x32xf32, #tpu.memory_space<hbm>>
    %dma_start3A_141 = arith.constant 192 : i32
    %dma_start3A_142 = arith.constant 0 : i32
    %dma_start3A_143 = tpu.memref_slice %arg8[%dma_start3A_141, %dma_start3A_142] : memref<256x32xf32, #tpu.memory_space<vmem>> -> memref<64x32xf32, #tpu.memory_space<vmem>>
    %dma_start3A_144 = arith.constant 96 : i32
    %dma_start3A_145 = tpu.memref_slice %arg2[%arg0, %select_n3A_98, %dma_start3A_144] : memref<2x204800x128xf32, #tpu.memory_space<hbm>> -> memref<1x64x32xf32, #tpu.memory_space<hbm>>
    %dma_start3A_146 = tpu.memref_squeeze %dma_start3A_145 : memref<1x64x32xf32, #tpu.memory_space<hbm>> -> memref<64x32xf32, #tpu.memory_space<hbm>>
    tpu.enqueue_dma source(%dma_start3A_146 : memref<64x32xf32, #tpu.memory_space<hbm>>) target(%dma_start3A_143 : memref<64x32xf32, #tpu.memory_space<vmem>>) target_semaphore(%arg12 : memref<!tpu.dma_semaphore, #tpu.memory_space<semaphore_mem>>)
    %add3A_147 = arith.constant 2 : i32
    %add3A_148 = arith.addi %mul3A_2, %add3A_147 : i32
    %dma_start3A_149 = arith.constant 0 : i32
    %dma_start3A_150 = tpu.memref_slice %arg3[%add3A_148, %dma_start3A_149] : memref<6400x128xi32, #tpu.memory_space<hbm>> -> memref<2x128xi32, #tpu.memory_space<hbm>>
    %dma_start3A_151 = arith.constant 0 : i32
    %dma_start3A_152 = tpu.memref_slice %arg3[%add3A_148, %dma_start3A_151] : memref<6400x128xi32, #tpu.memory_space<hbm>> -> memref<2x128xi32, #tpu.memory_space<hbm>>
    tpu.enqueue_dma source(%dma_start3A_152 : memref<2x128xi32, #tpu.memory_space<hbm>>) target(%arg10 : memref<2x128xi32, #tpu.memory_space<vmem>>) target_semaphore(%arg14 : memref<!tpu.dma_semaphore, #tpu.memory_space<semaphore_mem>>)
    %mul3A_153 = arith.constant 3128 : i32
    %mul3A_154 = arith.muli %arg1, %mul3A_153 : i32
    %mul3A_155 = arith.constant 3128 : i32
    %mul3A_156 = arith.muli %arg1, %mul3A_155 : i32
    %dma_start3A_157 = arith.constant 0 : i32
    %dma_start3A_158 = tpu.memref_slice %arg6[%mul3A_156, %dma_start3A_157] : memref<50048x32xf32, #tpu.memory_space<vmem_shared>> -> memref<3128x32xf32, #tpu.memory_space<vmem_shared>>
    %dma_start3A_159 = arith.constant 0 : i32
    %dma_start3A_160 = tpu.memref_slice %arg4[%mul3A_154, %dma_start3A_159] : memref<50048x32xf32, #tpu.memory_space<hbm>> -> memref<3128x32xf32, #tpu.memory_space<hbm>>
    tpu.enqueue_dma source(%dma_start3A_160 : memref<3128x32xf32, #tpu.memory_space<hbm>>) target(%dma_start3A_158 : memref<3128x32xf32, #tpu.memory_space<vmem_shared>>) target_semaphore(%arg16 : memref<!tpu.dma_semaphore, #tpu.memory_space<semaphore_mem>>)
    %dma_wait3A = arith.constant 0 : i32
    %dma_wait3A_161 = tpu.memref_slice %arg6[%mul3A_156, %dma_wait3A] : memref<50048x32xf32, #tpu.memory_space<vmem_shared>> -> memref<3128x32xf32, #tpu.memory_space<vmem_shared>>
    %dma_wait3A_162 = arith.constant 0 : i32
    %dma_wait3A_163 = tpu.memref_slice %arg4[%mul3A_154, %dma_wait3A_162] : memref<50048x32xf32, #tpu.memory_space<hbm>> -> memref<3128x32xf32, #tpu.memory_space<hbm>>
    tpu.wait_dma2 semaphore(%arg16 : memref<!tpu.dma_semaphore, #tpu.memory_space<semaphore_mem>>) src(%dma_wait3A_163 : memref<3128x32xf32, #tpu.memory_space<hbm>>) dst(%dma_wait3A_161 : memref<3128x32xf32, #tpu.memory_space<vmem_shared>>)
    %barrier3A = arith.constant 0 : index
    tpu.barrier barrier_id(%barrier3A)
    %scan3A = arith.constant 0 : i32
    %scan3A_164 = arith.constant 0 : i32
    %scan3A_165 = arith.constant 100 : i32
    %scan3A_166 = arith.addi %scan3A_164, %scan3A_165 : i32
    %scan3A_167 = arith.constant 1 : i32
    scf.for %scan3A_184 = %scan3A_164 to %scan3A_166 step %scan3A_167  : i32 {
      %mul3A_185 = arith.constant 2 : i32
      %mul3A_186 = arith.muli %mul3A_185, %scan3A_184 : i32
      %mul3A_187 = arith.constant 256 : i32
      %mul3A_188 = arith.muli %mul3A_186, %mul3A_187 : i32
      %add3A_189 = arith.addi %mul3A_0, %mul3A_188 : i32
      %jit3A_190 = arith.constant 4 : i32
      %div3A_191 = arith.divsi %add3A_189, %jit3A_190 : i32
      %sign3A_192 = arith.constant 0 : i32
      %sign3A_193 = arith.cmpi sgt, %add3A_189, %sign3A_192 : i32
      %sign3A_194 = arith.extui %sign3A_193 : i1 to i32
      %sign3A_195 = arith.constant 0 : i32
      %sign3A_196 = arith.cmpi slt, %add3A_189, %sign3A_195 : i32
      %sign3A_197 = arith.extui %sign3A_196 : i1 to i32
      %sign3A_198 = arith.subi %sign3A_194, %sign3A_197 : i32
      %sign3A_199 = arith.constant 0 : i32
      %sign3A_200 = arith.cmpi sgt, %jit3A_190, %sign3A_199 : i32
      %sign3A_201 = arith.extui %sign3A_200 : i1 to i32
      %sign3A_202 = arith.constant 0 : i32
      %sign3A_203 = arith.cmpi slt, %jit3A_190, %sign3A_202 : i32
      %sign3A_204 = arith.extui %sign3A_203 : i1 to i32
      %sign3A_205 = arith.subi %sign3A_201, %sign3A_204 : i32
      %ne3A_206 = arith.cmpi ne, %sign3A_198, %sign3A_205 : i32
      %rem3A_207 = arith.remsi %add3A_189, %jit3A_190 : i32
      %ne3A_208 = arith.constant 0 : i32
      %ne3A_209 = arith.cmpi ne, %rem3A_207, %ne3A_208 : i32
      %and3A_210 = arith.andi %ne3A_206, %ne3A_209 : i1
      %sub3A_211 = arith.constant 1 : i32
      %sub3A_212 = arith.subi %div3A_191, %sub3A_211 : i32
      %select_n3A_213 = arith.select %and3A_210, %sub3A_212, %div3A_191 : i32
      %dma_wait3A_214 = arith.constant 0 : i32
      %dma_wait3A_215 = arith.constant 0 : i32
      %dma_wait3A_216 = tpu.memref_slice %arg7[%dma_wait3A_214, %dma_wait3A_215] : memref<256x32xf32, #tpu.memory_space<vmem>> -> memref<64x32xf32, #tpu.memory_space<vmem>>
      %dma_wait3A_217 = arith.constant 0 : i32
      %dma_wait3A_218 = tpu.memref_slice %arg2[%arg0, %select_n3A_213, %dma_wait3A_217] : memref<2x204800x128xf32, #tpu.memory_space<hbm>> -> memref<1x64x32xf32, #tpu.memory_space<hbm>>
      %dma_wait3A_219 = tpu.memref_squeeze %dma_wait3A_218 : memref<1x64x32xf32, #tpu.memory_space<hbm>> -> memref<64x32xf32, #tpu.memory_space<hbm>>
      %dma_wait3A_220 = arith.constant 0 : i32
      %dma_wait3A_221 = arith.constant 0 : i32
      %dma_wait3A_222 = tpu.memref_slice %arg7[%dma_wait3A_220, %dma_wait3A_221] : memref<256x32xf32, #tpu.memory_space<vmem>> -> memref<64x32xf32, #tpu.memory_space<vmem>>
      %dma_wait3A_223 = arith.constant 0 : i32
      %dma_wait3A_224 = tpu.memref_slice %arg2[%arg0, %select_n3A_213, %dma_wait3A_223] : memref<2x204800x128xf32, #tpu.memory_space<hbm>> -> memref<1x64x32xf32, #tpu.memory_space<hbm>>
      %dma_wait3A_225 = tpu.memref_squeeze %dma_wait3A_224 : memref<1x64x32xf32, #tpu.memory_space<hbm>> -> memref<64x32xf32, #tpu.memory_space<hbm>>
      tpu.wait_dma2 semaphore(%arg11 : memref<!tpu.dma_semaphore, #tpu.memory_space<semaphore_mem>>) src(%dma_wait3A_225 : memref<64x32xf32, #tpu.memory_space<hbm>>) dst(%dma_wait3A_222 : memref<64x32xf32, #tpu.memory_space<vmem>>)
      %dma_wait3A_226 = arith.constant 64 : i32
      %dma_wait3A_227 = arith.constant 0 : i32
      %dma_wait3A_228 = tpu.memref_slice %arg7[%dma_wait3A_226, %dma_wait3A_227] : memref<256x32xf32, #tpu.memory_space<vmem>> -> memref<64x32xf32, #tpu.memory_space<vmem>>
      %dma_wait3A_229 = arith.constant 32 : i32
      %dma_wait3A_230 = tpu.memref_slice %arg2[%arg0, %select_n3A_213, %dma_wait3A_229] : memref<2x204800x128xf32, #tpu.memory_space<hbm>> -> memref<1x64x32xf32, #tpu.memory_space<hbm>>
      %dma_wait3A_231 = tpu.memref_squeeze %dma_wait3A_230 : memref<1x64x32xf32, #tpu.memory_space<hbm>> -> memref<64x32xf32, #tpu.memory_space<hbm>>
      %dma_wait3A_232 = arith.constant 64 : i32
      %dma_wait3A_233 = arith.constant 0 : i32
      %dma_wait3A_234 = tpu.memref_slice %arg7[%dma_wait3A_232, %dma_wait3A_233] : memref<256x32xf32, #tpu.memory_space<vmem>> -> memref<64x32xf32, #tpu.memory_space<vmem>>
      %dma_wait3A_235 = arith.constant 32 : i32
      %dma_wait3A_236 = tpu.memref_slice %arg2[%arg0, %select_n3A_213, %dma_wait3A_235] : memref<2x204800x128xf32, #tpu.memory_space<hbm>> -> memref<1x64x32xf32, #tpu.memory_space<hbm>>
      %dma_wait3A_237 = tpu.memref_squeeze %dma_wait3A_236 : memref<1x64x32xf32, #tpu.memory_space<hbm>> -> memref<64x32xf32, #tpu.memory_space<hbm>>
      tpu.wait_dma2 semaphore(%arg11 : memref<!tpu.dma_semaphore, #tpu.memory_space<semaphore_mem>>) src(%dma_wait3A_237 : memref<64x32xf32, #tpu.memory_space<hbm>>) dst(%dma_wait3A_234 : memref<64x32xf32, #tpu.memory_space<vmem>>)
      %dma_wait3A_238 = arith.constant 128 : i32
      %dma_wait3A_239 = arith.constant 0 : i32
      %dma_wait3A_240 = tpu.memref_slice %arg7[%dma_wait3A_238, %dma_wait3A_239] : memref<256x32xf32, #tpu.memory_space<vmem>> -> memref<64x32xf32, #tpu.memory_space<vmem>>
      %dma_wait3A_241 = arith.constant 64 : i32
      %dma_wait3A_242 = tpu.memref_slice %arg2[%arg0, %select_n3A_213, %dma_wait3A_241] : memref<2x204800x128xf32, #tpu.memory_space<hbm>> -> memref<1x64x32xf32, #tpu.memory_space<hbm>>
      %dma_wait3A_243 = tpu.memref_squeeze %dma_wait3A_242 : memref<1x64x32xf32, #tpu.memory_space<hbm>> -> memref<64x32xf32, #tpu.memory_space<hbm>>
      %dma_wait3A_244 = arith.constant 128 : i32
      %dma_wait3A_245 = arith.constant 0 : i32
      %dma_wait3A_246 = tpu.memref_slice %arg7[%dma_wait3A_244, %dma_wait3A_245] : memref<256x32xf32, #tpu.memory_space<vmem>> -> memref<64x32xf32, #tpu.memory_space<vmem>>
      %dma_wait3A_247 = arith.constant 64 : i32
      %dma_wait3A_248 = tpu.memref_slice %arg2[%arg0, %select_n3A_213, %dma_wait3A_247] : memref<2x204800x128xf32, #tpu.memory_space<hbm>> -> memref<1x64x32xf32, #tpu.memory_space<hbm>>
      %dma_wait3A_249 = tpu.memref_squeeze %dma_wait3A_248 : memref<1x64x32xf32, #tpu.memory_space<hbm>> -> memref<64x32xf32, #tpu.memory_space<hbm>>
      tpu.wait_dma2 semaphore(%arg11 : memref<!tpu.dma_semaphore, #tpu.memory_space<semaphore_mem>>) src(%dma_wait3A_249 : memref<64x32xf32, #tpu.memory_space<hbm>>) dst(%dma_wait3A_246 : memref<64x32xf32, #tpu.memory_space<vmem>>)
      %dma_wait3A_250 = arith.constant 192 : i32
      %dma_wait3A_251 = arith.constant 0 : i32
      %dma_wait3A_252 = tpu.memref_slice %arg7[%dma_wait3A_250, %dma_wait3A_251] : memref<256x32xf32, #tpu.memory_space<vmem>> -> memref<64x32xf32, #tpu.memory_space<vmem>>
      %dma_wait3A_253 = arith.constant 96 : i32
      %dma_wait3A_254 = tpu.memref_slice %arg2[%arg0, %select_n3A_213, %dma_wait3A_253] : memref<2x204800x128xf32, #tpu.memory_space<hbm>> -> memref<1x64x32xf32, #tpu.memory_space<hbm>>
      %dma_wait3A_255 = tpu.memref_squeeze %dma_wait3A_254 : memref<1x64x32xf32, #tpu.memory_space<hbm>> -> memref<64x32xf32, #tpu.memory_space<hbm>>
      %dma_wait3A_256 = arith.constant 192 : i32
      %dma_wait3A_257 = arith.constant 0 : i32
      %dma_wait3A_258 = tpu.memref_slice %arg7[%dma_wait3A_256, %dma_wait3A_257] : memref<256x32xf32, #tpu.memory_space<vmem>> -> memref<64x32xf32, #tpu.memory_space<vmem>>
      %dma_wait3A_259 = arith.constant 96 : i32
      %dma_wait3A_260 = tpu.memref_slice %arg2[%arg0, %select_n3A_213, %dma_wait3A_259] : memref<2x204800x128xf32, #tpu.memory_space<hbm>> -> memref<1x64x32xf32, #tpu.memory_space<hbm>>
      %dma_wait3A_261 = tpu.memref_squeeze %dma_wait3A_260 : memref<1x64x32xf32, #tpu.memory_space<hbm>> -> memref<64x32xf32, #tpu.memory_space<hbm>>
      tpu.wait_dma2 semaphore(%arg11 : memref<!tpu.dma_semaphore, #tpu.memory_space<semaphore_mem>>) src(%dma_wait3A_261 : memref<64x32xf32, #tpu.memory_space<hbm>>) dst(%dma_wait3A_258 : memref<64x32xf32, #tpu.memory_space<vmem>>)
      %mul3A_262 = arith.constant 2 : i32
      %mul3A_263 = arith.muli %mul3A_186, %mul3A_262 : i32
      %add3A_264 = arith.addi %mul3A_2, %mul3A_263 : i32
      %dma_wait3A_265 = arith.constant 0 : i32
      %dma_wait3A_266 = tpu.memref_slice %arg3[%add3A_264, %dma_wait3A_265] : memref<6400x128xi32, #tpu.memory_space<hbm>> -> memref<2x128xi32, #tpu.memory_space<hbm>>
      %dma_wait3A_267 = arith.constant 0 : i32
      %dma_wait3A_268 = tpu.memref_slice %arg3[%add3A_264, %dma_wait3A_267] : memref<6400x128xi32, #tpu.memory_space<hbm>> -> memref<2x128xi32, #tpu.memory_space<hbm>>
      tpu.wait_dma2 semaphore(%arg13 : memref<!tpu.dma_semaphore, #tpu.memory_space<semaphore_mem>>) src(%dma_wait3A_268 : memref<2x128xi32, #tpu.memory_space<hbm>>) dst(%arg9 : memref<2x128xi32, #tpu.memory_space<vmem>>)
      %dma_start3A_269 = arith.constant 0 : i32
      %dma_start3A_270 = arith.constant 0 : i32
      %dma_start3A_271 = arith.constant 0 : i32
      %dma_start3A_272 = tpu.memref_slice %arg7[%dma_start3A_270, %dma_start3A_271] : memref<256x32xf32, #tpu.memory_space<vmem>> -> memref<128x32xf32, #tpu.memory_space<vmem>>
      %dma_start3A_273 = arith.constant 0 : i32
      %dma_start3A_274 = tpu.memref_slice %arg9[%dma_start3A_269, %dma_start3A_273] : memref<2x128xi32, #tpu.memory_space<vmem>> -> memref<1x128xi32, #tpu.memory_space<vmem>>
      %dma_start3A_275 = tpu.memref_squeeze %dma_start3A_274 : memref<1x128xi32, #tpu.memory_space<vmem>> -> memref<128xi32, #tpu.memory_space<vmem>>
      %dma_start3A_276 = arith.constant 0 : i32
      %dma_start3A_277 = arith.constant 0 : i32
      %dma_start3A_278 = tpu.memref_slice %arg6[%dma_start3A_276, %dma_start3A_277] : memref<50048x32xf32, #tpu.memory_space<vmem_shared>> -> memref<50048x32xf32, #tpu.memory_space<vmem_shared>>
      tpu.enqueue_indirect_dma source(%dma_start3A_272 : memref<128x32xf32, #tpu.memory_space<vmem>>) target(%dma_start3A_278 : memref<50048x32xf32, #tpu.memory_space<vmem_shared>>) offsets(%dma_start3A_275 : memref<128xi32, #tpu.memory_space<vmem>>) semaphore(%arg15 : memref<!tpu.dma_semaphore, #tpu.memory_space<semaphore_mem>>) {add = true}
      %dma_start3A_279 = arith.constant 1 : i32
      %dma_start3A_280 = arith.constant 128 : i32
      %dma_start3A_281 = arith.constant 0 : i32
      %dma_start3A_282 = tpu.memref_slice %arg7[%dma_start3A_280, %dma_start3A_281] : memref<256x32xf32, #tpu.memory_space<vmem>> -> memref<128x32xf32, #tpu.memory_space<vmem>>
      %dma_start3A_283 = arith.constant 0 : i32
      %dma_start3A_284 = tpu.memref_slice %arg9[%dma_start3A_279, %dma_start3A_283] : memref<2x128xi32, #tpu.memory_space<vmem>> -> memref<1x128xi32, #tpu.memory_space<vmem>>
      %dma_start3A_285 = tpu.memref_squeeze %dma_start3A_284 : memref<1x128xi32, #tpu.memory_space<vmem>> -> memref<128xi32, #tpu.memory_space<vmem>>
      %dma_start3A_286 = arith.constant 0 : i32
      %dma_start3A_287 = arith.constant 0 : i32
      %dma_start3A_288 = tpu.memref_slice %arg6[%dma_start3A_286, %dma_start3A_287] : memref<50048x32xf32, #tpu.memory_space<vmem_shared>> -> memref<50048x32xf32, #tpu.memory_space<vmem_shared>>
      tpu.enqueue_indirect_dma source(%dma_start3A_282 : memref<128x32xf32, #tpu.memory_space<vmem>>) target(%dma_start3A_288 : memref<50048x32xf32, #tpu.memory_space<vmem_shared>>) offsets(%dma_start3A_285 : memref<128xi32, #tpu.memory_space<vmem>>) semaphore(%arg15 : memref<!tpu.dma_semaphore, #tpu.memory_space<semaphore_mem>>) {add = true}
      %dma_wait3A_289 = arith.constant 0 : i32
      %dma_wait3A_290 = arith.constant 0 : i32
      %dma_wait3A_291 = arith.constant 0 : i32
      %dma_wait3A_292 = tpu.memref_slice %arg7[%dma_wait3A_290, %dma_wait3A_291] : memref<256x32xf32, #tpu.memory_space<vmem>> -> memref<128x32xf32, #tpu.memory_space<vmem>>
      %dma_wait3A_293 = arith.constant 0 : i32
      %dma_wait3A_294 = tpu.memref_slice %arg9[%dma_wait3A_289, %dma_wait3A_293] : memref<2x128xi32, #tpu.memory_space<vmem>> -> memref<1x128xi32, #tpu.memory_space<vmem>>
      %dma_wait3A_295 = tpu.memref_squeeze %dma_wait3A_294 : memref<1x128xi32, #tpu.memory_space<vmem>> -> memref<128xi32, #tpu.memory_space<vmem>>
      %dma_wait3A_296 = arith.constant 0 : i32
      %dma_wait3A_297 = arith.constant 0 : i32
      %dma_wait3A_298 = tpu.memref_slice %arg6[%dma_wait3A_296, %dma_wait3A_297] : memref<50048x32xf32, #tpu.memory_space<vmem_shared>> -> memref<50048x32xf32, #tpu.memory_space<vmem_shared>>
      tpu.wait_indirect_dma semaphore(%arg15 : memref<!tpu.dma_semaphore, #tpu.memory_space<semaphore_mem>>) src(%dma_wait3A_292 : memref<128x32xf32, #tpu.memory_space<vmem>>) dst(%dma_wait3A_298 : memref<50048x32xf32, #tpu.memory_space<vmem_shared>>)
      %dma_wait3A_299 = arith.constant 1 : i32
      %dma_wait3A_300 = arith.constant 128 : i32
      %dma_wait3A_301 = arith.constant 0 : i32
      %dma_wait3A_302 = tpu.memref_slice %arg7[%dma_wait3A_300, %dma_wait3A_301] : memref<256x32xf32, #tpu.memory_space<vmem>> -> memref<128x32xf32, #tpu.memory_space<vmem>>
      %dma_wait3A_303 = arith.constant 0 : i32
      %dma_wait3A_304 = tpu.memref_slice %arg9[%dma_wait3A_299, %dma_wait3A_303] : memref<2x128xi32, #tpu.memory_space<vmem>> -> memref<1x128xi32, #tpu.memory_space<vmem>>
      %dma_wait3A_305 = tpu.memref_squeeze %dma_wait3A_304 : memref<1x128xi32, #tpu.memory_space<vmem>> -> memref<128xi32, #tpu.memory_space<vmem>>
      %dma_wait3A_306 = arith.constant 0 : i32
      %dma_wait3A_307 = arith.constant 0 : i32
      %dma_wait3A_308 = tpu.memref_slice %arg6[%dma_wait3A_306, %dma_wait3A_307] : memref<50048x32xf32, #tpu.memory_space<vmem_shared>> -> memref<50048x32xf32, #tpu.memory_space<vmem_shared>>
      tpu.wait_indirect_dma semaphore(%arg15 : memref<!tpu.dma_semaphore, #tpu.memory_space<semaphore_mem>>) src(%dma_wait3A_302 : memref<128x32xf32, #tpu.memory_space<vmem>>) dst(%dma_wait3A_308 : memref<50048x32xf32, #tpu.memory_space<vmem_shared>>)
      %add3A_309 = arith.constant 2 : i32
      %add3A_310 = arith.addi %mul3A_186, %add3A_309 : i32
      %lt3A = arith.constant 200 : i32
      %lt3A_311 = arith.cmpi slt, %add3A_310, %lt3A : i32
      %convert_element_type3A = arith.extui %lt3A_311 : i1 to i32
      %cond3A = arith.constant 0 : i32
      %cond3A_312 = arith.cmpi ne, %convert_element_type3A, %cond3A : i32
      scf.if %cond3A_312 {
        %add3A_446 = arith.constant 2 : i32
        %add3A_447 = arith.addi %mul3A_186, %add3A_446 : i32
        %mul3A_448 = arith.constant 256 : i32
        %mul3A_449 = arith.muli %add3A_447, %mul3A_448 : i32
        %add3A_450 = arith.addi %mul3A_0, %mul3A_449 : i32
        %jit3A_451 = arith.constant 4 : i32
        %div3A_452 = arith.divsi %add3A_450, %jit3A_451 : i32
        %sign3A_453 = arith.constant 0 : i32
        %sign3A_454 = arith.cmpi sgt, %add3A_450, %sign3A_453 : i32
        %sign3A_455 = arith.extui %sign3A_454 : i1 to i32
        %sign3A_456 = arith.constant 0 : i32
        %sign3A_457 = arith.cmpi slt, %add3A_450, %sign3A_456 : i32
        %sign3A_458 = arith.extui %sign3A_457 : i1 to i32
        %sign3A_459 = arith.subi %sign3A_455, %sign3A_458 : i32
        %sign3A_460 = arith.constant 0 : i32
        %sign3A_461 = arith.cmpi sgt, %jit3A_451, %sign3A_460 : i32
        %sign3A_462 = arith.extui %sign3A_461 : i1 to i32
        %sign3A_463 = arith.constant 0 : i32
        %sign3A_464 = arith.cmpi slt, %jit3A_451, %sign3A_463 : i32
        %sign3A_465 = arith.extui %sign3A_464 : i1 to i32
        %sign3A_466 = arith.subi %sign3A_462, %sign3A_465 : i32
        %ne3A_467 = arith.cmpi ne, %sign3A_459, %sign3A_466 : i32
        %rem3A_468 = arith.remsi %add3A_450, %jit3A_451 : i32
        %ne3A_469 = arith.constant 0 : i32
        %ne3A_470 = arith.cmpi ne, %rem3A_468, %ne3A_469 : i32
        %and3A_471 = arith.andi %ne3A_467, %ne3A_470 : i1
        %sub3A_472 = arith.constant 1 : i32
        %sub3A_473 = arith.subi %div3A_452, %sub3A_472 : i32
        %select_n3A_474 = arith.select %and3A_471, %sub3A_473, %div3A_452 : i32
        %dma_start3A_475 = arith.constant 0 : i32
        %dma_start3A_476 = arith.constant 0 : i32
        %dma_start3A_477 = tpu.memref_slice %arg7[%dma_start3A_475, %dma_start3A_476] : memref<256x32xf32, #tpu.memory_space<vmem>> -> memref<64x32xf32, #tpu.memory_space<vmem>>
        %dma_start3A_478 = arith.constant 0 : i32
        %dma_start3A_479 = tpu.memref_slice %arg2[%arg0, %select_n3A_474, %dma_start3A_478] : memref<2x204800x128xf32, #tpu.memory_space<hbm>> -> memref<1x64x32xf32, #tpu.memory_space<hbm>>
        %dma_start3A_480 = tpu.memref_squeeze %dma_start3A_479 : memref<1x64x32xf32, #tpu.memory_space<hbm>> -> memref<64x32xf32, #tpu.memory_space<hbm>>
        %dma_start3A_481 = arith.constant 0 : i32
        %dma_start3A_482 = arith.constant 0 : i32
        %dma_start3A_483 = tpu.memref_slice %arg7[%dma_start3A_481, %dma_start3A_482] : memref<256x32xf32, #tpu.memory_space<vmem>> -> memref<64x32xf32, #tpu.memory_space<vmem>>
        %dma_start3A_484 = arith.constant 0 : i32
        %dma_start3A_485 = tpu.memref_slice %arg2[%arg0, %select_n3A_474, %dma_start3A_484] : memref<2x204800x128xf32, #tpu.memory_space<hbm>> -> memref<1x64x32xf32, #tpu.memory_space<hbm>>
        %dma_start3A_486 = tpu.memref_squeeze %dma_start3A_485 : memref<1x64x32xf32, #tpu.memory_space<hbm>> -> memref<64x32xf32, #tpu.memory_space<hbm>>
        tpu.enqueue_dma source(%dma_start3A_486 : memref<64x32xf32, #tpu.memory_space<hbm>>) target(%dma_start3A_483 : memref<64x32xf32, #tpu.memory_space<vmem>>) target_semaphore(%arg11 : memref<!tpu.dma_semaphore, #tpu.memory_space<semaphore_mem>>)
        %dma_start3A_487 = arith.constant 64 : i32
        %dma_start3A_488 = arith.constant 0 : i32
        %dma_start3A_489 = tpu.memref_slice %arg7[%dma_start3A_487, %dma_start3A_488] : memref<256x32xf32, #tpu.memory_space<vmem>> -> memref<64x32xf32, #tpu.memory_space<vmem>>
        %dma_start3A_490 = arith.constant 32 : i32
        %dma_start3A_491 = tpu.memref_slice %arg2[%arg0, %select_n3A_474, %dma_start3A_490] : memref<2x204800x128xf32, #tpu.memory_space<hbm>> -> memref<1x64x32xf32, #tpu.memory_space<hbm>>
        %dma_start3A_492 = tpu.memref_squeeze %dma_start3A_491 : memref<1x64x32xf32, #tpu.memory_space<hbm>> -> memref<64x32xf32, #tpu.memory_space<hbm>>
        %dma_start3A_493 = arith.constant 64 : i32
        %dma_start3A_494 = arith.constant 0 : i32
        %dma_start3A_495 = tpu.memref_slice %arg7[%dma_start3A_493, %dma_start3A_494] : memref<256x32xf32, #tpu.memory_space<vmem>> -> memref<64x32xf32, #tpu.memory_space<vmem>>
        %dma_start3A_496 = arith.constant 32 : i32
        %dma_start3A_497 = tpu.memref_slice %arg2[%arg0, %select_n3A_474, %dma_start3A_496] : memref<2x204800x128xf32, #tpu.memory_space<hbm>> -> memref<1x64x32xf32, #tpu.memory_space<hbm>>
        %dma_start3A_498 = tpu.memref_squeeze %dma_start3A_497 : memref<1x64x32xf32, #tpu.memory_space<hbm>> -> memref<64x32xf32, #tpu.memory_space<hbm>>
        tpu.enqueue_dma source(%dma_start3A_498 : memref<64x32xf32, #tpu.memory_space<hbm>>) target(%dma_start3A_495 : memref<64x32xf32, #tpu.memory_space<vmem>>) target_semaphore(%arg11 : memref<!tpu.dma_semaphore, #tpu.memory_space<semaphore_mem>>)
        %dma_start3A_499 = arith.constant 128 : i32
        %dma_start3A_500 = arith.constant 0 : i32
        %dma_start3A_501 = tpu.memref_slice %arg7[%dma_start3A_499, %dma_start3A_500] : memref<256x32xf32, #tpu.memory_space<vmem>> -> memref<64x32xf32, #tpu.memory_space<vmem>>
        %dma_start3A_502 = arith.constant 64 : i32
        %dma_start3A_503 = tpu.memref_slice %arg2[%arg0, %select_n3A_474, %dma_start3A_502] : memref<2x204800x128xf32, #tpu.memory_space<hbm>> -> memref<1x64x32xf32, #tpu.memory_space<hbm>>
        %dma_start3A_504 = tpu.memref_squeeze %dma_start3A_503 : memref<1x64x32xf32, #tpu.memory_space<hbm>> -> memref<64x32xf32, #tpu.memory_space<hbm>>
        %dma_start3A_505 = arith.constant 128 : i32
        %dma_start3A_506 = arith.constant 0 : i32
        %dma_start3A_507 = tpu.memref_slice %arg7[%dma_start3A_505, %dma_start3A_506] : memref<256x32xf32, #tpu.memory_space<vmem>> -> memref<64x32xf32, #tpu.memory_space<vmem>>
        %dma_start3A_508 = arith.constant 64 : i32
        %dma_start3A_509 = tpu.memref_slice %arg2[%arg0, %select_n3A_474, %dma_start3A_508] : memref<2x204800x128xf32, #tpu.memory_space<hbm>> -> memref<1x64x32xf32, #tpu.memory_space<hbm>>
        %dma_start3A_510 = tpu.memref_squeeze %dma_start3A_509 : memref<1x64x32xf32, #tpu.memory_space<hbm>> -> memref<64x32xf32, #tpu.memory_space<hbm>>
        tpu.enqueue_dma source(%dma_start3A_510 : memref<64x32xf32, #tpu.memory_space<hbm>>) target(%dma_start3A_507 : memref<64x32xf32, #tpu.memory_space<vmem>>) target_semaphore(%arg11 : memref<!tpu.dma_semaphore, #tpu.memory_space<semaphore_mem>>)
        %dma_start3A_511 = arith.constant 192 : i32
        %dma_start3A_512 = arith.constant 0 : i32
        %dma_start3A_513 = tpu.memref_slice %arg7[%dma_start3A_511, %dma_start3A_512] : memref<256x32xf32, #tpu.memory_space<vmem>> -> memref<64x32xf32, #tpu.memory_space<vmem>>
        %dma_start3A_514 = arith.constant 96 : i32
        %dma_start3A_515 = tpu.memref_slice %arg2[%arg0, %select_n3A_474, %dma_start3A_514] : memref<2x204800x128xf32, #tpu.memory_space<hbm>> -> memref<1x64x32xf32, #tpu.memory_space<hbm>>
        %dma_start3A_516 = tpu.memref_squeeze %dma_start3A_515 : memref<1x64x32xf32, #tpu.memory_space<hbm>> -> memref<64x32xf32, #tpu.memory_space<hbm>>
        %dma_start3A_517 = arith.constant 192 : i32
        %dma_start3A_518 = arith.constant 0 : i32
        %dma_start3A_519 = tpu.memref_slice %arg7[%dma_start3A_517, %dma_start3A_518] : memref<256x32xf32, #tpu.memory_space<vmem>> -> memref<64x32xf32, #tpu.memory_space<vmem>>
        %dma_start3A_520 = arith.constant 96 : i32
        %dma_start3A_521 = tpu.memref_slice %arg2[%arg0, %select_n3A_474, %dma_start3A_520] : memref<2x204800x128xf32, #tpu.memory_space<hbm>> -> memref<1x64x32xf32, #tpu.memory_space<hbm>>
        %dma_start3A_522 = tpu.memref_squeeze %dma_start3A_521 : memref<1x64x32xf32, #tpu.memory_space<hbm>> -> memref<64x32xf32, #tpu.memory_space<hbm>>
        tpu.enqueue_dma source(%dma_start3A_522 : memref<64x32xf32, #tpu.memory_space<hbm>>) target(%dma_start3A_519 : memref<64x32xf32, #tpu.memory_space<vmem>>) target_semaphore(%arg11 : memref<!tpu.dma_semaphore, #tpu.memory_space<semaphore_mem>>)
        %mul3A_523 = arith.constant 2 : i32
        %mul3A_524 = arith.muli %add3A_447, %mul3A_523 : i32
        %add3A_525 = arith.addi %mul3A_2, %mul3A_524 : i32
        %dma_start3A_526 = arith.constant 0 : i32
        %dma_start3A_527 = tpu.memref_slice %arg3[%add3A_525, %dma_start3A_526] : memref<6400x128xi32, #tpu.memory_space<hbm>> -> memref<2x128xi32, #tpu.memory_space<hbm>>
        %dma_start3A_528 = arith.constant 0 : i32
        %dma_start3A_529 = tpu.memref_slice %arg3[%add3A_525, %dma_start3A_528] : memref<6400x128xi32, #tpu.memory_space<hbm>> -> memref<2x128xi32, #tpu.memory_space<hbm>>
        tpu.enqueue_dma source(%dma_start3A_529 : memref<2x128xi32, #tpu.memory_space<hbm>>) target(%arg9 : memref<2x128xi32, #tpu.memory_space<vmem>>) target_semaphore(%arg13 : memref<!tpu.dma_semaphore, #tpu.memory_space<semaphore_mem>>)
      } else {
      }
      %mul3A_313 = arith.constant 2 : i32
      %mul3A_314 = arith.muli %mul3A_313, %scan3A_184 : i32
      %add3A_315 = arith.constant 1 : i32
      %add3A_316 = arith.addi %mul3A_314, %add3A_315 : i32
      %mul3A_317 = arith.constant 256 : i32
      %mul3A_318 = arith.muli %add3A_316, %mul3A_317 : i32
      %add3A_319 = arith.addi %mul3A_0, %mul3A_318 : i32
      %jit3A_320 = arith.constant 4 : i32
      %div3A_321 = arith.divsi %add3A_319, %jit3A_320 : i32
      %sign3A_322 = arith.constant 0 : i32
      %sign3A_323 = arith.cmpi sgt, %add3A_319, %sign3A_322 : i32
      %sign3A_324 = arith.extui %sign3A_323 : i1 to i32
      %sign3A_325 = arith.constant 0 : i32
      %sign3A_326 = arith.cmpi slt, %add3A_319, %sign3A_325 : i32
      %sign3A_327 = arith.extui %sign3A_326 : i1 to i32
      %sign3A_328 = arith.subi %sign3A_324, %sign3A_327 : i32
      %sign3A_329 = arith.constant 0 : i32
      %sign3A_330 = arith.cmpi sgt, %jit3A_320, %sign3A_329 : i32
      %sign3A_331 = arith.extui %sign3A_330 : i1 to i32
      %sign3A_332 = arith.constant 0 : i32
      %sign3A_333 = arith.cmpi slt, %jit3A_320, %sign3A_332 : i32
      %sign3A_334 = arith.extui %sign3A_333 : i1 to i32
      %sign3A_335 = arith.subi %sign3A_331, %sign3A_334 : i32
      %ne3A_336 = arith.cmpi ne, %sign3A_328, %sign3A_335 : i32
      %rem3A_337 = arith.remsi %add3A_319, %jit3A_320 : i32
      %ne3A_338 = arith.constant 0 : i32
      %ne3A_339 = arith.cmpi ne, %rem3A_337, %ne3A_338 : i32
      %and3A_340 = arith.andi %ne3A_336, %ne3A_339 : i1
      %sub3A_341 = arith.constant 1 : i32
      %sub3A_342 = arith.subi %div3A_321, %sub3A_341 : i32
      %select_n3A_343 = arith.select %and3A_340, %sub3A_342, %div3A_321 : i32
      %dma_wait3A_344 = arith.constant 0 : i32
      %dma_wait3A_345 = arith.constant 0 : i32
      %dma_wait3A_346 = tpu.memref_slice %arg8[%dma_wait3A_344, %dma_wait3A_345] : memref<256x32xf32, #tpu.memory_space<vmem>> -> memref<64x32xf32, #tpu.memory_space<vmem>>
      %dma_wait3A_347 = arith.constant 0 : i32
      %dma_wait3A_348 = tpu.memref_slice %arg2[%arg0, %select_n3A_343, %dma_wait3A_347] : memref<2x204800x128xf32, #tpu.memory_space<hbm>> -> memref<1x64x32xf32, #tpu.memory_space<hbm>>
      %dma_wait3A_349 = tpu.memref_squeeze %dma_wait3A_348 : memref<1x64x32xf32, #tpu.memory_space<hbm>> -> memref<64x32xf32, #tpu.memory_space<hbm>>
      %dma_wait3A_350 = arith.constant 0 : i32
      %dma_wait3A_351 = arith.constant 0 : i32
      %dma_wait3A_352 = tpu.memref_slice %arg8[%dma_wait3A_350, %dma_wait3A_351] : memref<256x32xf32, #tpu.memory_space<vmem>> -> memref<64x32xf32, #tpu.memory_space<vmem>>
      %dma_wait3A_353 = arith.constant 0 : i32
      %dma_wait3A_354 = tpu.memref_slice %arg2[%arg0, %select_n3A_343, %dma_wait3A_353] : memref<2x204800x128xf32, #tpu.memory_space<hbm>> -> memref<1x64x32xf32, #tpu.memory_space<hbm>>
      %dma_wait3A_355 = tpu.memref_squeeze %dma_wait3A_354 : memref<1x64x32xf32, #tpu.memory_space<hbm>> -> memref<64x32xf32, #tpu.memory_space<hbm>>
      tpu.wait_dma2 semaphore(%arg12 : memref<!tpu.dma_semaphore, #tpu.memory_space<semaphore_mem>>) src(%dma_wait3A_355 : memref<64x32xf32, #tpu.memory_space<hbm>>) dst(%dma_wait3A_352 : memref<64x32xf32, #tpu.memory_space<vmem>>)
      %dma_wait3A_356 = arith.constant 64 : i32
      %dma_wait3A_357 = arith.constant 0 : i32
      %dma_wait3A_358 = tpu.memref_slice %arg8[%dma_wait3A_356, %dma_wait3A_357] : memref<256x32xf32, #tpu.memory_space<vmem>> -> memref<64x32xf32, #tpu.memory_space<vmem>>
      %dma_wait3A_359 = arith.constant 32 : i32
      %dma_wait3A_360 = tpu.memref_slice %arg2[%arg0, %select_n3A_343, %dma_wait3A_359] : memref<2x204800x128xf32, #tpu.memory_space<hbm>> -> memref<1x64x32xf32, #tpu.memory_space<hbm>>
      %dma_wait3A_361 = tpu.memref_squeeze %dma_wait3A_360 : memref<1x64x32xf32, #tpu.memory_space<hbm>> -> memref<64x32xf32, #tpu.memory_space<hbm>>
      %dma_wait3A_362 = arith.constant 64 : i32
      %dma_wait3A_363 = arith.constant 0 : i32
      %dma_wait3A_364 = tpu.memref_slice %arg8[%dma_wait3A_362, %dma_wait3A_363] : memref<256x32xf32, #tpu.memory_space<vmem>> -> memref<64x32xf32, #tpu.memory_space<vmem>>
      %dma_wait3A_365 = arith.constant 32 : i32
      %dma_wait3A_366 = tpu.memref_slice %arg2[%arg0, %select_n3A_343, %dma_wait3A_365] : memref<2x204800x128xf32, #tpu.memory_space<hbm>> -> memref<1x64x32xf32, #tpu.memory_space<hbm>>
      %dma_wait3A_367 = tpu.memref_squeeze %dma_wait3A_366 : memref<1x64x32xf32, #tpu.memory_space<hbm>> -> memref<64x32xf32, #tpu.memory_space<hbm>>
      tpu.wait_dma2 semaphore(%arg12 : memref<!tpu.dma_semaphore, #tpu.memory_space<semaphore_mem>>) src(%dma_wait3A_367 : memref<64x32xf32, #tpu.memory_space<hbm>>) dst(%dma_wait3A_364 : memref<64x32xf32, #tpu.memory_space<vmem>>)
      %dma_wait3A_368 = arith.constant 128 : i32
      %dma_wait3A_369 = arith.constant 0 : i32
      %dma_wait3A_370 = tpu.memref_slice %arg8[%dma_wait3A_368, %dma_wait3A_369] : memref<256x32xf32, #tpu.memory_space<vmem>> -> memref<64x32xf32, #tpu.memory_space<vmem>>
      %dma_wait3A_371 = arith.constant 64 : i32
      %dma_wait3A_372 = tpu.memref_slice %arg2[%arg0, %select_n3A_343, %dma_wait3A_371] : memref<2x204800x128xf32, #tpu.memory_space<hbm>> -> memref<1x64x32xf32, #tpu.memory_space<hbm>>
      %dma_wait3A_373 = tpu.memref_squeeze %dma_wait3A_372 : memref<1x64x32xf32, #tpu.memory_space<hbm>> -> memref<64x32xf32, #tpu.memory_space<hbm>>
      %dma_wait3A_374 = arith.constant 128 : i32
      %dma_wait3A_375 = arith.constant 0 : i32
      %dma_wait3A_376 = tpu.memref_slice %arg8[%dma_wait3A_374, %dma_wait3A_375] : memref<256x32xf32, #tpu.memory_space<vmem>> -> memref<64x32xf32, #tpu.memory_space<vmem>>
      %dma_wait3A_377 = arith.constant 64 : i32
      %dma_wait3A_378 = tpu.memref_slice %arg2[%arg0, %select_n3A_343, %dma_wait3A_377] : memref<2x204800x128xf32, #tpu.memory_space<hbm>> -> memref<1x64x32xf32, #tpu.memory_space<hbm>>
      %dma_wait3A_379 = tpu.memref_squeeze %dma_wait3A_378 : memref<1x64x32xf32, #tpu.memory_space<hbm>> -> memref<64x32xf32, #tpu.memory_space<hbm>>
      tpu.wait_dma2 semaphore(%arg12 : memref<!tpu.dma_semaphore, #tpu.memory_space<semaphore_mem>>) src(%dma_wait3A_379 : memref<64x32xf32, #tpu.memory_space<hbm>>) dst(%dma_wait3A_376 : memref<64x32xf32, #tpu.memory_space<vmem>>)
      %dma_wait3A_380 = arith.constant 192 : i32
      %dma_wait3A_381 = arith.constant 0 : i32
      %dma_wait3A_382 = tpu.memref_slice %arg8[%dma_wait3A_380, %dma_wait3A_381] : memref<256x32xf32, #tpu.memory_space<vmem>> -> memref<64x32xf32, #tpu.memory_space<vmem>>
      %dma_wait3A_383 = arith.constant 96 : i32
      %dma_wait3A_384 = tpu.memref_slice %arg2[%arg0, %select_n3A_343, %dma_wait3A_383] : memref<2x204800x128xf32, #tpu.memory_space<hbm>> -> memref<1x64x32xf32, #tpu.memory_space<hbm>>
      %dma_wait3A_385 = tpu.memref_squeeze %dma_wait3A_384 : memref<1x64x32xf32, #tpu.memory_space<hbm>> -> memref<64x32xf32, #tpu.memory_space<hbm>>
      %dma_wait3A_386 = arith.constant 192 : i32
      %dma_wait3A_387 = arith.constant 0 : i32
      %dma_wait3A_388 = tpu.memref_slice %arg8[%dma_wait3A_386, %dma_wait3A_387] : memref<256x32xf32, #tpu.memory_space<vmem>> -> memref<64x32xf32, #tpu.memory_space<vmem>>
      %dma_wait3A_389 = arith.constant 96 : i32
      %dma_wait3A_390 = tpu.memref_slice %arg2[%arg0, %select_n3A_343, %dma_wait3A_389] : memref<2x204800x128xf32, #tpu.memory_space<hbm>> -> memref<1x64x32xf32, #tpu.memory_space<hbm>>
      %dma_wait3A_391 = tpu.memref_squeeze %dma_wait3A_390 : memref<1x64x32xf32, #tpu.memory_space<hbm>> -> memref<64x32xf32, #tpu.memory_space<hbm>>
      tpu.wait_dma2 semaphore(%arg12 : memref<!tpu.dma_semaphore, #tpu.memory_space<semaphore_mem>>) src(%dma_wait3A_391 : memref<64x32xf32, #tpu.memory_space<hbm>>) dst(%dma_wait3A_388 : memref<64x32xf32, #tpu.memory_space<vmem>>)
      %mul3A_392 = arith.constant 2 : i32
      %mul3A_393 = arith.muli %add3A_316, %mul3A_392 : i32
      %add3A_394 = arith.addi %mul3A_2, %mul3A_393 : i32
      %dma_wait3A_395 = arith.constant 0 : i32
      %dma_wait3A_396 = tpu.memref_slice %arg3[%add3A_394, %dma_wait3A_395] : memref<6400x128xi32, #tpu.memory_space<hbm>> -> memref<2x128xi32, #tpu.memory_space<hbm>>
      %dma_wait3A_397 = arith.constant 0 : i32
      %dma_wait3A_398 = tpu.memref_slice %arg3[%add3A_394, %dma_wait3A_397] : memref<6400x128xi32, #tpu.memory_space<hbm>> -> memref<2x128xi32, #tpu.memory_space<hbm>>
      tpu.wait_dma2 semaphore(%arg14 : memref<!tpu.dma_semaphore, #tpu.memory_space<semaphore_mem>>) src(%dma_wait3A_398 : memref<2x128xi32, #tpu.memory_space<hbm>>) dst(%arg10 : memref<2x128xi32, #tpu.memory_space<vmem>>)
      %dma_start3A_399 = arith.constant 0 : i32
      %dma_start3A_400 = arith.constant 0 : i32
      %dma_start3A_401 = arith.constant 0 : i32
      %dma_start3A_402 = tpu.memref_slice %arg8[%dma_start3A_400, %dma_start3A_401] : memref<256x32xf32, #tpu.memory_space<vmem>> -> memref<128x32xf32, #tpu.memory_space<vmem>>
      %dma_start3A_403 = arith.constant 0 : i32
      %dma_start3A_404 = tpu.memref_slice %arg10[%dma_start3A_399, %dma_start3A_403] : memref<2x128xi32, #tpu.memory_space<vmem>> -> memref<1x128xi32, #tpu.memory_space<vmem>>
      %dma_start3A_405 = tpu.memref_squeeze %dma_start3A_404 : memref<1x128xi32, #tpu.memory_space<vmem>> -> memref<128xi32, #tpu.memory_space<vmem>>
      %dma_start3A_406 = arith.constant 0 : i32
      %dma_start3A_407 = arith.constant 0 : i32
      %dma_start3A_408 = tpu.memref_slice %arg6[%dma_start3A_406, %dma_start3A_407] : memref<50048x32xf32, #tpu.memory_space<vmem_shared>> -> memref<50048x32xf32, #tpu.memory_space<vmem_shared>>
      tpu.enqueue_indirect_dma source(%dma_start3A_402 : memref<128x32xf32, #tpu.memory_space<vmem>>) target(%dma_start3A_408 : memref<50048x32xf32, #tpu.memory_space<vmem_shared>>) offsets(%dma_start3A_405 : memref<128xi32, #tpu.memory_space<vmem>>) semaphore(%arg15 : memref<!tpu.dma_semaphore, #tpu.memory_space<semaphore_mem>>) {add = true}
      %dma_start3A_409 = arith.constant 1 : i32
      %dma_start3A_410 = arith.constant 128 : i32
      %dma_start3A_411 = arith.constant 0 : i32
      %dma_start3A_412 = tpu.memref_slice %arg8[%dma_start3A_410, %dma_start3A_411] : memref<256x32xf32, #tpu.memory_space<vmem>> -> memref<128x32xf32, #tpu.memory_space<vmem>>
      %dma_start3A_413 = arith.constant 0 : i32
      %dma_start3A_414 = tpu.memref_slice %arg10[%dma_start3A_409, %dma_start3A_413] : memref<2x128xi32, #tpu.memory_space<vmem>> -> memref<1x128xi32, #tpu.memory_space<vmem>>
      %dma_start3A_415 = tpu.memref_squeeze %dma_start3A_414 : memref<1x128xi32, #tpu.memory_space<vmem>> -> memref<128xi32, #tpu.memory_space<vmem>>
      %dma_start3A_416 = arith.constant 0 : i32
      %dma_start3A_417 = arith.constant 0 : i32
      %dma_start3A_418 = tpu.memref_slice %arg6[%dma_start3A_416, %dma_start3A_417] : memref<50048x32xf32, #tpu.memory_space<vmem_shared>> -> memref<50048x32xf32, #tpu.memory_space<vmem_shared>>
      tpu.enqueue_indirect_dma source(%dma_start3A_412 : memref<128x32xf32, #tpu.memory_space<vmem>>) target(%dma_start3A_418 : memref<50048x32xf32, #tpu.memory_space<vmem_shared>>) offsets(%dma_start3A_415 : memref<128xi32, #tpu.memory_space<vmem>>) semaphore(%arg15 : memref<!tpu.dma_semaphore, #tpu.memory_space<semaphore_mem>>) {add = true}
      %dma_wait3A_419 = arith.constant 0 : i32
      %dma_wait3A_420 = arith.constant 0 : i32
      %dma_wait3A_421 = arith.constant 0 : i32
      %dma_wait3A_422 = tpu.memref_slice %arg8[%dma_wait3A_420, %dma_wait3A_421] : memref<256x32xf32, #tpu.memory_space<vmem>> -> memref<128x32xf32, #tpu.memory_space<vmem>>
      %dma_wait3A_423 = arith.constant 0 : i32
      %dma_wait3A_424 = tpu.memref_slice %arg10[%dma_wait3A_419, %dma_wait3A_423] : memref<2x128xi32, #tpu.memory_space<vmem>> -> memref<1x128xi32, #tpu.memory_space<vmem>>
      %dma_wait3A_425 = tpu.memref_squeeze %dma_wait3A_424 : memref<1x128xi32, #tpu.memory_space<vmem>> -> memref<128xi32, #tpu.memory_space<vmem>>
      %dma_wait3A_426 = arith.constant 0 : i32
      %dma_wait3A_427 = arith.constant 0 : i32
      %dma_wait3A_428 = tpu.memref_slice %arg6[%dma_wait3A_426, %dma_wait3A_427] : memref<50048x32xf32, #tpu.memory_space<vmem_shared>> -> memref<50048x32xf32, #tpu.memory_space<vmem_shared>>
      tpu.wait_indirect_dma semaphore(%arg15 : memref<!tpu.dma_semaphore, #tpu.memory_space<semaphore_mem>>) src(%dma_wait3A_422 : memref<128x32xf32, #tpu.memory_space<vmem>>) dst(%dma_wait3A_428 : memref<50048x32xf32, #tpu.memory_space<vmem_shared>>)
      %dma_wait3A_429 = arith.constant 1 : i32
      %dma_wait3A_430 = arith.constant 128 : i32
      %dma_wait3A_431 = arith.constant 0 : i32
      %dma_wait3A_432 = tpu.memref_slice %arg8[%dma_wait3A_430, %dma_wait3A_431] : memref<256x32xf32, #tpu.memory_space<vmem>> -> memref<128x32xf32, #tpu.memory_space<vmem>>
      %dma_wait3A_433 = arith.constant 0 : i32
      %dma_wait3A_434 = tpu.memref_slice %arg10[%dma_wait3A_429, %dma_wait3A_433] : memref<2x128xi32, #tpu.memory_space<vmem>> -> memref<1x128xi32, #tpu.memory_space<vmem>>
      %dma_wait3A_435 = tpu.memref_squeeze %dma_wait3A_434 : memref<1x128xi32, #tpu.memory_space<vmem>> -> memref<128xi32, #tpu.memory_space<vmem>>
      %dma_wait3A_436 = arith.constant 0 : i32
      %dma_wait3A_437 = arith.constant 0 : i32
      %dma_wait3A_438 = tpu.memref_slice %arg6[%dma_wait3A_436, %dma_wait3A_437] : memref<50048x32xf32, #tpu.memory_space<vmem_shared>> -> memref<50048x32xf32, #tpu.memory_space<vmem_shared>>
      tpu.wait_indirect_dma semaphore(%arg15 : memref<!tpu.dma_semaphore, #tpu.memory_space<semaphore_mem>>) src(%dma_wait3A_432 : memref<128x32xf32, #tpu.memory_space<vmem>>) dst(%dma_wait3A_438 : memref<50048x32xf32, #tpu.memory_space<vmem_shared>>)
      %add3A_439 = arith.constant 2 : i32
      %add3A_440 = arith.addi %add3A_316, %add3A_439 : i32
      %lt3A_441 = arith.constant 200 : i32
      %lt3A_442 = arith.cmpi slt, %add3A_440, %lt3A_441 : i32
      %convert_element_type3A_443 = arith.extui %lt3A_442 : i1 to i32
      %cond3A_444 = arith.constant 0 : i32
      %cond3A_445 = arith.cmpi ne, %convert_element_type3A_443, %cond3A_444 : i32
      scf.if %cond3A_445 {
        %add3A_446 = arith.constant 2 : i32
        %add3A_447 = arith.addi %add3A_316, %add3A_446 : i32
        %mul3A_448 = arith.constant 256 : i32
        %mul3A_449 = arith.muli %add3A_447, %mul3A_448 : i32
        %add3A_450 = arith.addi %mul3A_0, %mul3A_449 : i32
        %jit3A_451 = arith.constant 4 : i32
        %div3A_452 = arith.divsi %add3A_450, %jit3A_451 : i32
        %sign3A_453 = arith.constant 0 : i32
        %sign3A_454 = arith.cmpi sgt, %add3A_450, %sign3A_453 : i32
        %sign3A_455 = arith.extui %sign3A_454 : i1 to i32
        %sign3A_456 = arith.constant 0 : i32
        %sign3A_457 = arith.cmpi slt, %add3A_450, %sign3A_456 : i32
        %sign3A_458 = arith.extui %sign3A_457 : i1 to i32
        %sign3A_459 = arith.subi %sign3A_455, %sign3A_458 : i32
        %sign3A_460 = arith.constant 0 : i32
        %sign3A_461 = arith.cmpi sgt, %jit3A_451, %sign3A_460 : i32
        %sign3A_462 = arith.extui %sign3A_461 : i1 to i32
        %sign3A_463 = arith.constant 0 : i32
        %sign3A_464 = arith.cmpi slt, %jit3A_451, %sign3A_463 : i32
        %sign3A_465 = arith.extui %sign3A_464 : i1 to i32
        %sign3A_466 = arith.subi %sign3A_462, %sign3A_465 : i32
        %ne3A_467 = arith.cmpi ne, %sign3A_459, %sign3A_466 : i32
        %rem3A_468 = arith.remsi %add3A_450, %jit3A_451 : i32
        %ne3A_469 = arith.constant 0 : i32
        %ne3A_470 = arith.cmpi ne, %rem3A_468, %ne3A_469 : i32
        %and3A_471 = arith.andi %ne3A_467, %ne3A_470 : i1
        %sub3A_472 = arith.constant 1 : i32
        %sub3A_473 = arith.subi %div3A_452, %sub3A_472 : i32
        %select_n3A_474 = arith.select %and3A_471, %sub3A_473, %div3A_452 : i32
        %dma_start3A_475 = arith.constant 0 : i32
        %dma_start3A_476 = arith.constant 0 : i32
        %dma_start3A_477 = tpu.memref_slice %arg8[%dma_start3A_475, %dma_start3A_476] : memref<256x32xf32, #tpu.memory_space<vmem>> -> memref<64x32xf32, #tpu.memory_space<vmem>>
        %dma_start3A_478 = arith.constant 0 : i32
        %dma_start3A_479 = tpu.memref_slice %arg2[%arg0, %select_n3A_474, %dma_start3A_478] : memref<2x204800x128xf32, #tpu.memory_space<hbm>> -> memref<1x64x32xf32, #tpu.memory_space<hbm>>
        %dma_start3A_480 = tpu.memref_squeeze %dma_start3A_479 : memref<1x64x32xf32, #tpu.memory_space<hbm>> -> memref<64x32xf32, #tpu.memory_space<hbm>>
        %dma_start3A_481 = arith.constant 0 : i32
        %dma_start3A_482 = arith.constant 0 : i32
        %dma_start3A_483 = tpu.memref_slice %arg8[%dma_start3A_481, %dma_start3A_482] : memref<256x32xf32, #tpu.memory_space<vmem>> -> memref<64x32xf32, #tpu.memory_space<vmem>>
        %dma_start3A_484 = arith.constant 0 : i32
        %dma_start3A_485 = tpu.memref_slice %arg2[%arg0, %select_n3A_474, %dma_start3A_484] : memref<2x204800x128xf32, #tpu.memory_space<hbm>> -> memref<1x64x32xf32, #tpu.memory_space<hbm>>
        %dma_start3A_486 = tpu.memref_squeeze %dma_start3A_485 : memref<1x64x32xf32, #tpu.memory_space<hbm>> -> memref<64x32xf32, #tpu.memory_space<hbm>>
        tpu.enqueue_dma source(%dma_start3A_486 : memref<64x32xf32, #tpu.memory_space<hbm>>) target(%dma_start3A_483 : memref<64x32xf32, #tpu.memory_space<vmem>>) target_semaphore(%arg12 : memref<!tpu.dma_semaphore, #tpu.memory_space<semaphore_mem>>)
        %dma_start3A_487 = arith.constant 64 : i32
        %dma_start3A_488 = arith.constant 0 : i32
        %dma_start3A_489 = tpu.memref_slice %arg8[%dma_start3A_487, %dma_start3A_488] : memref<256x32xf32, #tpu.memory_space<vmem>> -> memref<64x32xf32, #tpu.memory_space<vmem>>
        %dma_start3A_490 = arith.constant 32 : i32
        %dma_start3A_491 = tpu.memref_slice %arg2[%arg0, %select_n3A_474, %dma_start3A_490] : memref<2x204800x128xf32, #tpu.memory_space<hbm>> -> memref<1x64x32xf32, #tpu.memory_space<hbm>>
        %dma_start3A_492 = tpu.memref_squeeze %dma_start3A_491 : memref<1x64x32xf32, #tpu.memory_space<hbm>> -> memref<64x32xf32, #tpu.memory_space<hbm>>
        %dma_start3A_493 = arith.constant 64 : i32
        %dma_start3A_494 = arith.constant 0 : i32
        %dma_start3A_495 = tpu.memref_slice %arg8[%dma_start3A_493, %dma_start3A_494] : memref<256x32xf32, #tpu.memory_space<vmem>> -> memref<64x32xf32, #tpu.memory_space<vmem>>
        %dma_start3A_496 = arith.constant 32 : i32
        %dma_start3A_497 = tpu.memref_slice %arg2[%arg0, %select_n3A_474, %dma_start3A_496] : memref<2x204800x128xf32, #tpu.memory_space<hbm>> -> memref<1x64x32xf32, #tpu.memory_space<hbm>>
        %dma_start3A_498 = tpu.memref_squeeze %dma_start3A_497 : memref<1x64x32xf32, #tpu.memory_space<hbm>> -> memref<64x32xf32, #tpu.memory_space<hbm>>
        tpu.enqueue_dma source(%dma_start3A_498 : memref<64x32xf32, #tpu.memory_space<hbm>>) target(%dma_start3A_495 : memref<64x32xf32, #tpu.memory_space<vmem>>) target_semaphore(%arg12 : memref<!tpu.dma_semaphore, #tpu.memory_space<semaphore_mem>>)
        %dma_start3A_499 = arith.constant 128 : i32
        %dma_start3A_500 = arith.constant 0 : i32
        %dma_start3A_501 = tpu.memref_slice %arg8[%dma_start3A_499, %dma_start3A_500] : memref<256x32xf32, #tpu.memory_space<vmem>> -> memref<64x32xf32, #tpu.memory_space<vmem>>
        %dma_start3A_502 = arith.constant 64 : i32
        %dma_start3A_503 = tpu.memref_slice %arg2[%arg0, %select_n3A_474, %dma_start3A_502] : memref<2x204800x128xf32, #tpu.memory_space<hbm>> -> memref<1x64x32xf32, #tpu.memory_space<hbm>>
        %dma_start3A_504 = tpu.memref_squeeze %dma_start3A_503 : memref<1x64x32xf32, #tpu.memory_space<hbm>> -> memref<64x32xf32, #tpu.memory_space<hbm>>
        %dma_start3A_505 = arith.constant 128 : i32
        %dma_start3A_506 = arith.constant 0 : i32
        %dma_start3A_507 = tpu.memref_slice %arg8[%dma_start3A_505, %dma_start3A_506] : memref<256x32xf32, #tpu.memory_space<vmem>> -> memref<64x32xf32, #tpu.memory_space<vmem>>
        %dma_start3A_508 = arith.constant 64 : i32
        %dma_start3A_509 = tpu.memref_slice %arg2[%arg0, %select_n3A_474, %dma_start3A_508] : memref<2x204800x128xf32, #tpu.memory_space<hbm>> -> memref<1x64x32xf32, #tpu.memory_space<hbm>>
        %dma_start3A_510 = tpu.memref_squeeze %dma_start3A_509 : memref<1x64x32xf32, #tpu.memory_space<hbm>> -> memref<64x32xf32, #tpu.memory_space<hbm>>
        tpu.enqueue_dma source(%dma_start3A_510 : memref<64x32xf32, #tpu.memory_space<hbm>>) target(%dma_start3A_507 : memref<64x32xf32, #tpu.memory_space<vmem>>) target_semaphore(%arg12 : memref<!tpu.dma_semaphore, #tpu.memory_space<semaphore_mem>>)
        %dma_start3A_511 = arith.constant 192 : i32
        %dma_start3A_512 = arith.constant 0 : i32
        %dma_start3A_513 = tpu.memref_slice %arg8[%dma_start3A_511, %dma_start3A_512] : memref<256x32xf32, #tpu.memory_space<vmem>> -> memref<64x32xf32, #tpu.memory_space<vmem>>
        %dma_start3A_514 = arith.constant 96 : i32
        %dma_start3A_515 = tpu.memref_slice %arg2[%arg0, %select_n3A_474, %dma_start3A_514] : memref<2x204800x128xf32, #tpu.memory_space<hbm>> -> memref<1x64x32xf32, #tpu.memory_space<hbm>>
        %dma_start3A_516 = tpu.memref_squeeze %dma_start3A_515 : memref<1x64x32xf32, #tpu.memory_space<hbm>> -> memref<64x32xf32, #tpu.memory_space<hbm>>
        %dma_start3A_517 = arith.constant 192 : i32
        %dma_start3A_518 = arith.constant 0 : i32
        %dma_start3A_519 = tpu.memref_slice %arg8[%dma_start3A_517, %dma_start3A_518] : memref<256x32xf32, #tpu.memory_space<vmem>> -> memref<64x32xf32, #tpu.memory_space<vmem>>
        %dma_start3A_520 = arith.constant 96 : i32
        %dma_start3A_521 = tpu.memref_slice %arg2[%arg0, %select_n3A_474, %dma_start3A_520] : memref<2x204800x128xf32, #tpu.memory_space<hbm>> -> memref<1x64x32xf32, #tpu.memory_space<hbm>>
        %dma_start3A_522 = tpu.memref_squeeze %dma_start3A_521 : memref<1x64x32xf32, #tpu.memory_space<hbm>> -> memref<64x32xf32, #tpu.memory_space<hbm>>
        tpu.enqueue_dma source(%dma_start3A_522 : memref<64x32xf32, #tpu.memory_space<hbm>>) target(%dma_start3A_519 : memref<64x32xf32, #tpu.memory_space<vmem>>) target_semaphore(%arg12 : memref<!tpu.dma_semaphore, #tpu.memory_space<semaphore_mem>>)
        %mul3A_523 = arith.constant 2 : i32
        %mul3A_524 = arith.muli %add3A_447, %mul3A_523 : i32
        %add3A_525 = arith.addi %mul3A_2, %mul3A_524 : i32
        %dma_start3A_526 = arith.constant 0 : i32
        %dma_start3A_527 = tpu.memref_slice %arg3[%add3A_525, %dma_start3A_526] : memref<6400x128xi32, #tpu.memory_space<hbm>> -> memref<2x128xi32, #tpu.memory_space<hbm>>
        %dma_start3A_528 = arith.constant 0 : i32
        %dma_start3A_529 = tpu.memref_slice %arg3[%add3A_525, %dma_start3A_528] : memref<6400x128xi32, #tpu.memory_space<hbm>> -> memref<2x128xi32, #tpu.memory_space<hbm>>
        tpu.enqueue_dma source(%dma_start3A_529 : memref<2x128xi32, #tpu.memory_space<hbm>>) target(%arg10 : memref<2x128xi32, #tpu.memory_space<vmem>>) target_semaphore(%arg14 : memref<!tpu.dma_semaphore, #tpu.memory_space<semaphore_mem>>)
      } else {
      }
    }
    %scan3A_168 = arith.constant 100 : i32
    %barrier3A_169 = arith.constant 0 : index
    tpu.barrier barrier_id(%barrier3A_169)
    %mul3A_170 = arith.constant 3128 : i32
    %mul3A_171 = arith.muli %arg1, %mul3A_170 : i32
    %mul3A_172 = arith.constant 3128 : i32
    %mul3A_173 = arith.muli %arg1, %mul3A_172 : i32
    %dma_start3A_174 = arith.constant 0 : i32
    %dma_start3A_175 = tpu.memref_slice %arg5[%arg0, %mul3A_173, %dma_start3A_174] : memref<2x50048x32xf32, #tpu.memory_space<hbm>> -> memref<1x3128x32xf32, #tpu.memory_space<hbm>>
    %dma_start3A_176 = tpu.memref_squeeze %dma_start3A_175 : memref<1x3128x32xf32, #tpu.memory_space<hbm>> -> memref<3128x32xf32, #tpu.memory_space<hbm>>
    %dma_start3A_177 = arith.constant 0 : i32
    %dma_start3A_178 = tpu.memref_slice %arg6[%mul3A_171, %dma_start3A_177] : memref<50048x32xf32, #tpu.memory_space<vmem_shared>> -> memref<3128x32xf32, #tpu.memory_space<vmem_shared>>
    tpu.enqueue_dma source(%dma_start3A_178 : memref<3128x32xf32, #tpu.memory_space<vmem_shared>>) target(%dma_start3A_176 : memref<3128x32xf32, #tpu.memory_space<hbm>>) target_semaphore(%arg17 : memref<!tpu.dma_semaphore, #tpu.memory_space<semaphore_mem>>)
    %dma_wait3A_179 = arith.constant 0 : i32
    %dma_wait3A_180 = tpu.memref_slice %arg5[%arg0, %mul3A_173, %dma_wait3A_179] : memref<2x50048x32xf32, #tpu.memory_space<hbm>> -> memref<1x3128x32xf32, #tpu.memory_space<hbm>>
    %dma_wait3A_181 = tpu.memref_squeeze %dma_wait3A_180 : memref<1x3128x32xf32, #tpu.memory_space<hbm>> -> memref<3128x32xf32, #tpu.memory_space<hbm>>
    %dma_wait3A_182 = arith.constant 0 : i32
    %dma_wait3A_183 = tpu.memref_slice %arg6[%mul3A_171, %dma_wait3A_182] : memref<50048x32xf32, #tpu.memory_space<vmem_shared>> -> memref<3128x32xf32, #tpu.memory_space<vmem_shared>>
    tpu.wait_dma2 semaphore(%arg17 : memref<!tpu.dma_semaphore, #tpu.memory_space<semaphore_mem>>) src(%dma_wait3A_183 : memref<3128x32xf32, #tpu.memory_space<vmem_shared>>) dst(%dma_wait3A_181 : memref<3128x32xf32, #tpu.memory_space<hbm>>)
    return
  }
}

module attributes {stable_mosaic.version = 14 : i64} {
  func.func @_tc1_body(%arg0: i32, %arg1: i32, %arg2: memref<4096x16xf32, #tpu.memory_space<vmem>>, %arg3: memref<1x4x16x128xf32, #tpu.memory_space<vmem>>, %arg4: memref<1x1x128xf32, #tpu.memory_space<vmem>>, %arg5: memref<1x1024x128xf32, #tpu.memory_space<vmem>>) attributes {dimension_semantics = [#tpu.dimension_semantics<arbitrary>, #tpu.dimension_semantics<arbitrary>], iteration_bounds = array<i64: 200, 2>, scalar_prefetch = 0 : i64, scratch_operands = 0 : i64, tpu.core_type = #tpu.core_type<tc>, window_params = [{transform_indices = @transform_0, window_bounds = array<i64: 4096, 16>}, {transform_indices = @transform_1, window_bounds = array<i64: 1, 4, 16, 128>}, {transform_indices = @transform_2, window_bounds = array<i64: 1, 1, 128>}, {transform_indices = @transform_3, window_bounds = array<i64: 1, 1024, 128>}]} {
    %lt3A = arith.constant 195 : i32
    %lt3A_0 = arith.cmpi slt, %arg0, %lt3A : i32
    %convert_element_type3A = arith.extui %lt3A_0 : i1 to i32
    %cond3A = arith.constant 0 : i32
    %cond3A_1 = arith.cmpi ne, %convert_element_type3A, %cond3A : i32
    scf.if %cond3A_1 {
      %get3A = arith.constant 0 : index
      %get3A_6 = arith.constant 0 : index
      %get3A_7 = vector.load %arg2[%get3A, %get3A_6] : memref<4096x16xf32, #tpu.memory_space<vmem>>, vector<4096x16xf32>
      %slice3A = vector.extract_strided_slice %get3A_7 {offsets = [0, 0], sizes = [1024, 16], strides = [1, 1]} : vector<4096x16xf32> to vector<1024x16xf32>
      %get3A_8 = arith.constant 0 : index
      %get3A_9 = arith.constant 0 : index
      %get3A_10 = arith.constant 0 : index
      %get3A_11 = arith.constant 0 : index
      %get3A_12 = vector.load %arg3[%get3A_8, %get3A_9, %get3A_10, %get3A_11] : memref<1x4x16x128xf32, #tpu.memory_space<vmem>>, vector<1x1x16x128xf32>
      %get3A_13 = vector.shape_cast %get3A_12 : vector<1x1x16x128xf32> to vector<16x128xf32>
      %dot_general3A = arith.constant dense<0.000000e+00> : vector<1024x128xf32>
      %dot_general3A_14 = tpu.matmul %slice3A, %get3A_13, %dot_general3A {dimension_numbers = #tpu.dot_dimension_numbers<[1], [0], [0], [1], [0, 0, 1, 1], [], []>, transpose_lhs_hint = false} : vector<1024x16xf32>, vector<16x128xf32>, vector<1024x128xf32> -> vector<1024x128xf32>
      %slice3A_15 = vector.extract_strided_slice %get3A_7 {offsets = [1024, 0], sizes = [1024, 16], strides = [1, 1]} : vector<4096x16xf32> to vector<1024x16xf32>
      %get3A_16 = arith.constant 0 : index
      %get3A_17 = arith.constant 1 : index
      %get3A_18 = arith.constant 0 : index
      %get3A_19 = arith.constant 0 : index
      %get3A_20 = vector.load %arg3[%get3A_16, %get3A_17, %get3A_18, %get3A_19] : memref<1x4x16x128xf32, #tpu.memory_space<vmem>>, vector<1x1x16x128xf32>
      %get3A_21 = vector.shape_cast %get3A_20 : vector<1x1x16x128xf32> to vector<16x128xf32>
      %dot_general3A_22 = arith.constant dense<0.000000e+00> : vector<1024x128xf32>
      %dot_general3A_23 = tpu.matmul %slice3A_15, %get3A_21, %dot_general3A_22 {dimension_numbers = #tpu.dot_dimension_numbers<[1], [0], [0], [1], [0, 0, 1, 1], [], []>, transpose_lhs_hint = false} : vector<1024x16xf32>, vector<16x128xf32>, vector<1024x128xf32> -> vector<1024x128xf32>
      %add3A = arith.addf %dot_general3A_14, %dot_general3A_23 : vector<1024x128xf32>
      %slice3A_24 = vector.extract_strided_slice %get3A_7 {offsets = [2048, 0], sizes = [1024, 16], strides = [1, 1]} : vector<4096x16xf32> to vector<1024x16xf32>
      %get3A_25 = arith.constant 0 : index
      %get3A_26 = arith.constant 2 : index
      %get3A_27 = arith.constant 0 : index
      %get3A_28 = arith.constant 0 : index
      %get3A_29 = vector.load %arg3[%get3A_25, %get3A_26, %get3A_27, %get3A_28] : memref<1x4x16x128xf32, #tpu.memory_space<vmem>>, vector<1x1x16x128xf32>
      %get3A_30 = vector.shape_cast %get3A_29 : vector<1x1x16x128xf32> to vector<16x128xf32>
      %dot_general3A_31 = arith.constant dense<0.000000e+00> : vector<1024x128xf32>
      %dot_general3A_32 = tpu.matmul %slice3A_24, %get3A_30, %dot_general3A_31 {dimension_numbers = #tpu.dot_dimension_numbers<[1], [0], [0], [1], [0, 0, 1, 1], [], []>, transpose_lhs_hint = false} : vector<1024x16xf32>, vector<16x128xf32>, vector<1024x128xf32> -> vector<1024x128xf32>
      %add3A_33 = arith.addf %add3A, %dot_general3A_32 : vector<1024x128xf32>
      %slice3A_34 = vector.extract_strided_slice %get3A_7 {offsets = [3072, 0], sizes = [1024, 16], strides = [1, 1]} : vector<4096x16xf32> to vector<1024x16xf32>
      %get3A_35 = arith.constant 0 : index
      %get3A_36 = arith.constant 3 : index
      %get3A_37 = arith.constant 0 : index
      %get3A_38 = arith.constant 0 : index
      %get3A_39 = vector.load %arg3[%get3A_35, %get3A_36, %get3A_37, %get3A_38] : memref<1x4x16x128xf32, #tpu.memory_space<vmem>>, vector<1x1x16x128xf32>
      %get3A_40 = vector.shape_cast %get3A_39 : vector<1x1x16x128xf32> to vector<16x128xf32>
      %dot_general3A_41 = arith.constant dense<0.000000e+00> : vector<1024x128xf32>
      %dot_general3A_42 = tpu.matmul %slice3A_34, %get3A_40, %dot_general3A_41 {dimension_numbers = #tpu.dot_dimension_numbers<[1], [0], [0], [1], [0, 0, 1, 1], [], []>, transpose_lhs_hint = false} : vector<1024x16xf32>, vector<16x128xf32>, vector<1024x128xf32> -> vector<1024x128xf32>
      %add3A_43 = arith.addf %add3A_33, %dot_general3A_42 : vector<1024x128xf32>
      %get3A_44 = arith.constant 0 : index
      %get3A_45 = arith.constant 0 : index
      %get3A_46 = arith.constant 0 : index
      %get3A_47 = vector.load %arg4[%get3A_44, %get3A_45, %get3A_46] : memref<1x1x128xf32, #tpu.memory_space<vmem>>, vector<1x1x128xf32>
      %get3A_48 = vector.shape_cast %get3A_47 : vector<1x1x128xf32> to vector<1x128xf32>
      %add3A_49 = vector.broadcast %get3A_48 : vector<1x128xf32> to vector<1024x128xf32>
      %add3A_50 = arith.addf %add3A_43, %add3A_49 : vector<1024x128xf32>
      %max3A = arith.constant 0.000000e+00 : f32
      %max3A_51 = vector.broadcast %max3A : f32 to vector<1024x128xf32>
      %max3A_52 = arith.maximumf %add3A_50, %max3A_51 : vector<1024x128xf32>
      %swap3A = arith.constant 0 : index
      %swap3A_53 = arith.constant 0 : index
      %swap3A_54 = arith.constant 0 : index
      %swap3A_55 = vector.load %arg5[%swap3A, %swap3A_53, %swap3A_54] : memref<1x1024x128xf32, #tpu.memory_space<vmem>>, vector<1x1024x128xf32>
      %swap3A_56 = vector.shape_cast %swap3A_55 : vector<1x1024x128xf32> to vector<1024x128xf32>
      %swap3A_57 = vector.shape_cast %max3A_52 : vector<1024x128xf32> to vector<1x1024x128xf32>
      tpu.vector_store %arg5[%swap3A, %swap3A_53, %swap3A_54], %swap3A_57 {strides = array<i32>} : memref<1x1024x128xf32, #tpu.memory_space<vmem>>, vector<1x1024x128xf32>,
    } else {
    }
    %ge3A = arith.constant 195 : i32
    %ge3A_2 = arith.cmpi sge, %arg0, %ge3A : i32
    %convert_element_type3A_3 = arith.extui %ge3A_2 : i1 to i32
    %cond3A_4 = arith.constant 0 : i32
    %cond3A_5 = arith.cmpi ne, %convert_element_type3A_3, %cond3A_4 : i32
    scf.if %cond3A_5 {
      %mul3A = arith.constant 4096 : i32
      %mul3A_6 = arith.muli %arg0, %mul3A : i32
      %iota3A = tpu.iota {dimensions = array<i32: 0>} : vector<4096x16xi32>
      %add3A = vector.broadcast %mul3A_6 : i32 to vector<4096x16xi32>
      %add3A_7 = arith.addi %add3A, %iota3A : vector<4096x16xi32>
      %lt3A_8 = arith.constant 800000 : i32
      %lt3A_9 = vector.broadcast %lt3A_8 : i32 to vector<4096x16xi32>
      %lt3A_10 = arith.cmpi slt, %add3A_7, %lt3A_9 : vector<4096x16xi32>
      %get3A = arith.constant 0 : index
      %get3A_11 = arith.constant 0 : index
      %get3A_12 = vector.load %arg2[%get3A, %get3A_11] : memref<4096x16xf32, #tpu.memory_space<vmem>>, vector<4096x16xf32>
      %jit3A = arith.constant 0.000000e+00 : f32
      %broadcast_in_dim3A = vector.broadcast %jit3A : f32 to vector<4096x16xf32>
      %select_n3A = arith.select %lt3A_10, %get3A_12, %broadcast_in_dim3A : vector<4096x16xi1>, vector<4096x16xf32>
      %slice3A = vector.extract_strided_slice %select_n3A {offsets = [0, 0], sizes = [1024, 16], strides = [1, 1]} : vector<4096x16xf32> to vector<1024x16xf32>
      %get3A_13 = arith.constant 0 : index
      %get3A_14 = arith.constant 0 : index
      %get3A_15 = arith.constant 0 : index
      %get3A_16 = arith.constant 0 : index
      %get3A_17 = vector.load %arg3[%get3A_13, %get3A_14, %get3A_15, %get3A_16] : memref<1x4x16x128xf32, #tpu.memory_space<vmem>>, vector<1x1x16x128xf32>
      %get3A_18 = vector.shape_cast %get3A_17 : vector<1x1x16x128xf32> to vector<16x128xf32>
      %dot_general3A = arith.constant dense<0.000000e+00> : vector<1024x128xf32>
      %dot_general3A_19 = tpu.matmul %slice3A, %get3A_18, %dot_general3A {dimension_numbers = #tpu.dot_dimension_numbers<[1], [0], [0], [1], [0, 0, 1, 1], [], []>, transpose_lhs_hint = false} : vector<1024x16xf32>, vector<16x128xf32>, vector<1024x128xf32> -> vector<1024x128xf32>
      %slice3A_20 = vector.extract_strided_slice %select_n3A {offsets = [1024, 0], sizes = [1024, 16], strides = [1, 1]} : vector<4096x16xf32> to vector<1024x16xf32>
      %get3A_21 = arith.constant 0 : index
      %get3A_22 = arith.constant 1 : index
      %get3A_23 = arith.constant 0 : index
      %get3A_24 = arith.constant 0 : index
      %get3A_25 = vector.load %arg3[%get3A_21, %get3A_22, %get3A_23, %get3A_24] : memref<1x4x16x128xf32, #tpu.memory_space<vmem>>, vector<1x1x16x128xf32>
      %get3A_26 = vector.shape_cast %get3A_25 : vector<1x1x16x128xf32> to vector<16x128xf32>
      %dot_general3A_27 = arith.constant dense<0.000000e+00> : vector<1024x128xf32>
      %dot_general3A_28 = tpu.matmul %slice3A_20, %get3A_26, %dot_general3A_27 {dimension_numbers = #tpu.dot_dimension_numbers<[1], [0], [0], [1], [0, 0, 1, 1], [], []>, transpose_lhs_hint = false} : vector<1024x16xf32>, vector<16x128xf32>, vector<1024x128xf32> -> vector<1024x128xf32>
      %add3A_29 = arith.addf %dot_general3A_19, %dot_general3A_28 : vector<1024x128xf32>
      %slice3A_30 = vector.extract_strided_slice %select_n3A {offsets = [2048, 0], sizes = [1024, 16], strides = [1, 1]} : vector<4096x16xf32> to vector<1024x16xf32>
      %get3A_31 = arith.constant 0 : index
      %get3A_32 = arith.constant 2 : index
      %get3A_33 = arith.constant 0 : index
      %get3A_34 = arith.constant 0 : index
      %get3A_35 = vector.load %arg3[%get3A_31, %get3A_32, %get3A_33, %get3A_34] : memref<1x4x16x128xf32, #tpu.memory_space<vmem>>, vector<1x1x16x128xf32>
      %get3A_36 = vector.shape_cast %get3A_35 : vector<1x1x16x128xf32> to vector<16x128xf32>
      %dot_general3A_37 = arith.constant dense<0.000000e+00> : vector<1024x128xf32>
      %dot_general3A_38 = tpu.matmul %slice3A_30, %get3A_36, %dot_general3A_37 {dimension_numbers = #tpu.dot_dimension_numbers<[1], [0], [0], [1], [0, 0, 1, 1], [], []>, transpose_lhs_hint = false} : vector<1024x16xf32>, vector<16x128xf32>, vector<1024x128xf32> -> vector<1024x128xf32>
      %add3A_39 = arith.addf %add3A_29, %dot_general3A_38 : vector<1024x128xf32>
      %slice3A_40 = vector.extract_strided_slice %select_n3A {offsets = [3072, 0], sizes = [1024, 16], strides = [1, 1]} : vector<4096x16xf32> to vector<1024x16xf32>
      %get3A_41 = arith.constant 0 : index
      %get3A_42 = arith.constant 3 : index
      %get3A_43 = arith.constant 0 : index
      %get3A_44 = arith.constant 0 : index
      %get3A_45 = vector.load %arg3[%get3A_41, %get3A_42, %get3A_43, %get3A_44] : memref<1x4x16x128xf32, #tpu.memory_space<vmem>>, vector<1x1x16x128xf32>
      %get3A_46 = vector.shape_cast %get3A_45 : vector<1x1x16x128xf32> to vector<16x128xf32>
      %dot_general3A_47 = arith.constant dense<0.000000e+00> : vector<1024x128xf32>
      %dot_general3A_48 = tpu.matmul %slice3A_40, %get3A_46, %dot_general3A_47 {dimension_numbers = #tpu.dot_dimension_numbers<[1], [0], [0], [1], [0, 0, 1, 1], [], []>, transpose_lhs_hint = false} : vector<1024x16xf32>, vector<16x128xf32>, vector<1024x128xf32> -> vector<1024x128xf32>
      %add3A_49 = arith.addf %add3A_39, %dot_general3A_48 : vector<1024x128xf32>
      %get3A_50 = arith.constant 0 : index
      %get3A_51 = arith.constant 0 : index
      %get3A_52 = arith.constant 0 : index
      %get3A_53 = vector.load %arg4[%get3A_50, %get3A_51, %get3A_52] : memref<1x1x128xf32, #tpu.memory_space<vmem>>, vector<1x1x128xf32>
      %get3A_54 = vector.shape_cast %get3A_53 : vector<1x1x128xf32> to vector<1x128xf32>
      %add3A_55 = vector.broadcast %get3A_54 : vector<1x128xf32> to vector<1024x128xf32>
      %add3A_56 = arith.addf %add3A_49, %add3A_55 : vector<1024x128xf32>
      %max3A = arith.constant 0.000000e+00 : f32
      %max3A_57 = vector.broadcast %max3A : f32 to vector<1024x128xf32>
      %max3A_58 = arith.maximumf %add3A_56, %max3A_57 : vector<1024x128xf32>
      %iota3A_59 = tpu.iota {dimensions = array<i32: 1>} : vector<1024x128xi32>
      %iota3A_60 = tpu.iota {dimensions = array<i32: 0>} : vector<1024x128xi32>
      %mul3A_61 = arith.constant 4096 : i32
      %mul3A_62 = arith.muli %arg0, %mul3A_61 : i32
      %jit3A_63 = arith.constant 32 : i32
      %div3A = vector.broadcast %jit3A_63 : i32 to vector<1024x128xi32>
      %div3A_64 = arith.divsi %iota3A_59, %div3A : vector<1024x128xi32>
      %sign3A = arith.constant 0 : i32
      %sign3A_65 = vector.broadcast %sign3A : i32 to vector<1024x128xi32>
      %sign3A_66 = arith.cmpi sgt, %iota3A_59, %sign3A_65 : vector<1024x128xi32>
      %sign3A_67 = arith.extui %sign3A_66 : vector<1024x128xi1> to vector<1024x128xi32>
      %sign3A_68 = arith.constant 0 : i32
      %sign3A_69 = vector.broadcast %sign3A_68 : i32 to vector<1024x128xi32>
      %sign3A_70 = arith.cmpi slt, %iota3A_59, %sign3A_69 : vector<1024x128xi32>
      %sign3A_71 = arith.extui %sign3A_70 : vector<1024x128xi1> to vector<1024x128xi32>
      %sign3A_72 = arith.subi %sign3A_67, %sign3A_71 : vector<1024x128xi32>
      %sign3A_73 = arith.constant 0 : i32
      %sign3A_74 = arith.cmpi sgt, %jit3A_63, %sign3A_73 : i32
      %sign3A_75 = arith.extui %sign3A_74 : i1 to i32
      %sign3A_76 = arith.constant 0 : i32
      %sign3A_77 = arith.cmpi slt, %jit3A_63, %sign3A_76 : i32
      %sign3A_78 = arith.extui %sign3A_77 : i1 to i32
      %sign3A_79 = arith.subi %sign3A_75, %sign3A_78 : i32
      %ne3A = vector.broadcast %sign3A_79 : i32 to vector<1024x128xi32>
      %ne3A_80 = arith.cmpi ne, %sign3A_72, %ne3A : vector<1024x128xi32>
      %rem3A = vector.broadcast %jit3A_63 : i32 to vector<1024x128xi32>
      %rem3A_81 = arith.remsi %iota3A_59, %rem3A : vector<1024x128xi32>
      %ne3A_82 = arith.constant 0 : i32
      %ne3A_83 = vector.broadcast %ne3A_82 : i32 to vector<1024x128xi32>
      %ne3A_84 = arith.cmpi ne, %rem3A_81, %ne3A_83 : vector<1024x128xi32>
      %and3A = arith.andi %ne3A_80, %ne3A_84 : vector<1024x128xi1>
      %sub3A = arith.constant 1 : i32
      %sub3A_85 = vector.broadcast %sub3A : i32 to vector<1024x128xi32>
      %sub3A_86 = arith.subi %div3A_64, %sub3A_85 : vector<1024x128xi32>
      %select_n3A_87 = arith.select %and3A, %sub3A_86, %div3A_64 : vector<1024x128xi1>, vector<1024x128xi32>
      %mul3A_88 = arith.constant 1024 : i32
      %mul3A_89 = vector.broadcast %mul3A_88 : i32 to vector<1024x128xi32>
      %mul3A_90 = arith.muli %select_n3A_87, %mul3A_89 : vector<1024x128xi32>
      %add3A_91 = vector.broadcast %mul3A_62 : i32 to vector<1024x128xi32>
      %add3A_92 = arith.addi %add3A_91, %mul3A_90 : vector<1024x128xi32>
      %add3A_93 = arith.addi %add3A_92, %iota3A_60 : vector<1024x128xi32>
      %lt3A_94 = arith.constant 800000 : i32
      %lt3A_95 = vector.broadcast %lt3A_94 : i32 to vector<1024x128xi32>
      %lt3A_96 = arith.cmpi slt, %add3A_93, %lt3A_95 : vector<1024x128xi32>
      %jit3A_97 = arith.constant 0.000000e+00 : f32
      %broadcast_in_dim3A_98 = vector.broadcast %jit3A_97 : f32 to vector<1024x128xf32>
      %select_n3A_99 = arith.select %lt3A_96, %max3A_58, %broadcast_in_dim3A_98 : vector<1024x128xi1>, vector<1024x128xf32>
      %swap3A = arith.constant 0 : index
      %swap3A_100 = arith.constant 0 : index
      %swap3A_101 = arith.constant 0 : index
      %swap3A_102 = vector.load %arg5[%swap3A, %swap3A_100, %swap3A_101] : memref<1x1024x128xf32, #tpu.memory_space<vmem>>, vector<1x1024x128xf32>
      %swap3A_103 = vector.shape_cast %swap3A_102 : vector<1x1024x128xf32> to vector<1024x128xf32>
      %swap3A_104 = vector.shape_cast %select_n3A_99 : vector<1024x128xf32> to vector<1x1024x128xf32>
      tpu.vector_store %arg5[%swap3A, %swap3A_100, %swap3A_101], %swap3A_104 {strides = array<i32>} : memref<1x1024x128xf32, #tpu.memory_space<vmem>>, vector<1x1024x128xf32>,
    } else {
    }
    return
  }
  func.func @transform_0(%arg0: i32, %arg1: i32) -> (i32, i32) {
    %min3A = arith.constant 195 : i32
    %min3A_0 = arith.minsi %arg0, %min3A : i32
    %c0_i32 = arith.constant 0 : i32
    %c0_i32_1 = arith.constant 0 : i32
    return %min3A_0, %c0_i32 : i32, i32
  }
  func.func @transform_1(%arg0: i32, %arg1: i32) -> (i32, i32, i32, i32) {
    %c0_i32 = arith.constant 0 : i32
    %c0_i32_0 = arith.constant 0 : i32
    %c0_i32_1 = arith.constant 0 : i32
    %c0_i32_2 = arith.constant 0 : i32
    return %arg1, %c0_i32, %c0_i32_0, %c0_i32_1 : i32, i32, i32, i32
  }
  func.func @transform_2(%arg0: i32, %arg1: i32) -> (i32, i32, i32) {
    %c0_i32 = arith.constant 0 : i32
    %c0_i32_0 = arith.constant 0 : i32
    %c0_i32_1 = arith.constant 0 : i32
    return %arg1, %c0_i32, %c0_i32_0 : i32, i32, i32
  }
  func.func @transform_3(%arg0: i32, %arg1: i32) -> (i32, i32, i32) {
    %c0_i32 = arith.constant 0 : i32
    %c0_i32_0 = arith.constant 0 : i32
    return %arg1, %arg0, %c0_i32 : i32, i32, i32
  }
}

module attributes {stable_mosaic.version = 14 : i64} {
  func.func @_tc2_body(%arg0: i32, %arg1: memref<1000x128xf32, #tpu.memory_space<vmem>>, %arg2: memref<2x1000x32xf32, #tpu.memory_space<vmem>>, %arg3: memref<1x1x1000xi32, #tpu.memory_space<vmem>>, %arg4: memref<128x64xf32, #tpu.memory_space<vmem>>, %arg5: memref<1x64xf32, #tpu.memory_space<vmem>>, %arg6: memref<128x64xf32, #tpu.memory_space<vmem>>, %arg7: memref<1x64xf32, #tpu.memory_space<vmem>>, %arg8: memref<64x1xf32, #tpu.memory_space<vmem>>, %arg9: memref<1x1xf32, #tpu.memory_space<vmem>>, %arg10: memref<64x1xf32, #tpu.memory_space<vmem>>, %arg11: memref<64x64xf32, #tpu.memory_space<vmem>>, %arg12: memref<64x1xf32, #tpu.memory_space<vmem>>) attributes {dimension_semantics = [#tpu.dimension_semantics<arbitrary>], iteration_bounds = array<i64: 50>, scalar_prefetch = 0 : i64, scratch_operands = 2 : i64, tpu.core_type = #tpu.core_type<tc>, window_params = [{transform_indices = @transform_0, window_bounds = array<i64: 1000, 128>}, {transform_indices = @transform_1, window_bounds = array<i64: 2, 1000, 32>}, {transform_indices = @transform_2, window_bounds = array<i64: 1, 1, 1000>}, {pipeline_mode = #tpu.pipeline_mode<synchronous>, transform_indices = @transform_3, window_bounds = array<i64: 128, 64>}, {pipeline_mode = #tpu.pipeline_mode<synchronous>, transform_indices = @transform_4, window_bounds = array<i64: 1, 64>}, {pipeline_mode = #tpu.pipeline_mode<synchronous>, transform_indices = @transform_5, window_bounds = array<i64: 128, 64>}, {pipeline_mode = #tpu.pipeline_mode<synchronous>, transform_indices = @transform_6, window_bounds = array<i64: 1, 64>}, {pipeline_mode = #tpu.pipeline_mode<synchronous>, transform_indices = @transform_7, window_bounds = array<i64: 64, 1>}, {pipeline_mode = #tpu.pipeline_mode<synchronous>, transform_indices = @transform_8, window_bounds = array<i64: 1, 1>}, {pipeline_mode = #tpu.pipeline_mode<synchronous>, transform_indices = @transform_9, window_bounds = array<i64: 64, 1>}]} {
    %get3A = arith.constant 0 : index
    %get3A_0 = arith.constant 0 : index
    %get3A_1 = vector.load %arg1[%get3A, %get3A_0] : memref<1000x128xf32, #tpu.memory_space<vmem>>, vector<1000x128xf32>
    %get3A_2 = arith.constant 0 : index
    %get3A_3 = arith.constant 0 : index
    %get3A_4 = vector.load %arg4[%get3A_2, %get3A_3] : memref<128x64xf32, #tpu.memory_space<vmem>>, vector<128x64xf32>
    %dot_general3A = arith.constant dense<0.000000e+00> : vector<1000x64xf32>
    %dot_general3A_5 = tpu.matmul %get3A_1, %get3A_4, %dot_general3A {dimension_numbers = #tpu.dot_dimension_numbers<[1], [0], [0], [1], [0, 0, 1, 1], [], []>, transpose_lhs_hint = false} : vector<1000x128xf32>, vector<128x64xf32>, vector<1000x64xf32> -> vector<1000x64xf32>
    %get3A_6 = arith.constant 0 : index
    %get3A_7 = arith.constant 0 : index
    %get3A_8 = vector.load %arg5[%get3A_6, %get3A_7] : memref<1x64xf32, #tpu.memory_space<vmem>>, vector<1x64xf32>
    %add3A = vector.broadcast %get3A_8 : vector<1x64xf32> to vector<1000x64xf32>
    %add3A_9 = arith.addf %dot_general3A_5, %add3A : vector<1000x64xf32>
    %max3A = arith.constant 0.000000e+00 : f32
    %max3A_10 = vector.broadcast %max3A : f32 to vector<1000x64xf32>
    %max3A_11 = arith.maximumf %add3A_9, %max3A_10 : vector<1000x64xf32>
    %get3A_12 = arith.constant 0 : index
    %get3A_13 = arith.constant 0 : index
    %get3A_14 = arith.constant 0 : index
    %get3A_15 = vector.load %arg2[%get3A_12, %get3A_13, %get3A_14] : memref<2x1000x32xf32, #tpu.memory_space<vmem>>, vector<1x1000x32xf32>
    %get3A_16 = vector.shape_cast %get3A_15 : vector<1x1000x32xf32> to vector<1000x32xf32>
    %get3A_17 = arith.constant 1 : index
    %get3A_18 = arith.constant 0 : index
    %get3A_19 = arith.constant 0 : index
    %get3A_20 = vector.load %arg2[%get3A_17, %get3A_18, %get3A_19] : memref<2x1000x32xf32, #tpu.memory_space<vmem>>, vector<1x1000x32xf32>
    %get3A_21 = vector.shape_cast %get3A_20 : vector<1x1000x32xf32> to vector<1000x32xf32>
    %concatenate3A = tpu.concatenate %get3A_16, %get3A_21 in 1 : vector<1000x32xf32>, vector<1000x32xf32> -> vector<1000x64xf32>
    %get3A_22 = arith.constant 0 : index
    %get3A_23 = arith.constant 0 : index
    %get3A_24 = vector.load %arg6[%get3A_22, %get3A_23] : memref<128x64xf32, #tpu.memory_space<vmem>>, vector<64x64xf32>
    %dot_general3A_25 = arith.constant dense<0.000000e+00> : vector<1000x64xf32>
    %dot_general3A_26 = tpu.matmul %max3A_11, %get3A_24, %dot_general3A_25 {dimension_numbers = #tpu.dot_dimension_numbers<[1], [0], [0], [1], [0, 0, 1, 1], [], []>, transpose_lhs_hint = false} : vector<1000x64xf32>, vector<64x64xf32>, vector<1000x64xf32> -> vector<1000x64xf32>
    %get3A_27 = arith.constant 64 : index
    %get3A_28 = arith.constant 0 : index
    %get3A_29 = vector.load %arg6[%get3A_27, %get3A_28] : memref<128x64xf32, #tpu.memory_space<vmem>>, vector<64x64xf32>
    %dot_general3A_30 = arith.constant dense<0.000000e+00> : vector<1000x64xf32>
    %dot_general3A_31 = tpu.matmul %concatenate3A, %get3A_29, %dot_general3A_30 {dimension_numbers = #tpu.dot_dimension_numbers<[1], [0], [0], [1], [0, 0, 1, 1], [], []>, transpose_lhs_hint = false} : vector<1000x64xf32>, vector<64x64xf32>, vector<1000x64xf32> -> vector<1000x64xf32>
    %add3A_32 = arith.addf %dot_general3A_26, %dot_general3A_31 : vector<1000x64xf32>
    %get3A_33 = arith.constant 0 : index
    %get3A_34 = arith.constant 0 : index
    %get3A_35 = vector.load %arg7[%get3A_33, %get3A_34] : memref<1x64xf32, #tpu.memory_space<vmem>>, vector<1x64xf32>
    %add3A_36 = vector.broadcast %get3A_35 : vector<1x64xf32> to vector<1000x64xf32>
    %add3A_37 = arith.addf %add3A_32, %add3A_36 : vector<1000x64xf32>
    %max3A_38 = arith.constant 0.000000e+00 : f32
    %max3A_39 = vector.broadcast %max3A_38 : f32 to vector<1000x64xf32>
    %max3A_40 = arith.maximumf %add3A_37, %max3A_39 : vector<1000x64xf32>
    %get3A_41 = arith.constant 0 : index
    %get3A_42 = arith.constant 0 : index
    %get3A_43 = arith.constant 0 : index
    %get3A_44 = vector.load %arg3[%get3A_41, %get3A_42, %get3A_43] : memref<1x1x1000xi32, #tpu.memory_space<vmem>>, vector<1x1x1000xi32>
    %get3A_45 = vector.shape_cast %get3A_44 : vector<1x1x1000xi32> to vector<1000xi32>
    %broadcast_in_dim3A = vector.shape_cast %get3A_45 : vector<1000xi32> to vector<1000x1xi32>
    %iota3A = tpu.iota {dimensions = array<i32: 1>} : vector<1000x64xi32>
    %eq3A = vector.broadcast %broadcast_in_dim3A : vector<1000x1xi32> to vector<1000x64xi32>
    %eq3A_46 = arith.cmpi eq, %eq3A, %iota3A : vector<1000x64xi32>
    %convert_element_type3A = arith.extui %eq3A_46 : vector<1000x64xi1> to vector<1000x64xi32>
    %convert_element_type3A_47 = arith.sitofp %convert_element_type3A : vector<1000x64xi32> to vector<1000x64xf32>
    %dot_general3A_48 = arith.constant dense<0.000000e+00> : vector<64x64xf32>
    %dot_general3A_49 = tpu.matmul %convert_element_type3A_47, %max3A_40, %dot_general3A_48 {dimension_numbers = #tpu.dot_dimension_numbers<[0], [0], [1], [1], [0, 1, 1, 1], [], []>, transpose_lhs_hint = false} : vector<1000x64xf32>, vector<1000x64xf32>, vector<64x64xf32> -> vector<64x64xf32>
    %broadcast_in_dim3A_50 = arith.constant 1.000000e+00 : f32
    %broadcast_in_dim3A_51 = vector.broadcast %broadcast_in_dim3A_50 : f32 to vector<1000x1xf32>
    %dot_general3A_52 = arith.constant dense<0.000000e+00> : vector<64x1xf32>
    %dot_general3A_53 = tpu.matmul %convert_element_type3A_47, %broadcast_in_dim3A_51, %dot_general3A_52 {dimension_numbers = #tpu.dot_dimension_numbers<[0], [0], [1], [1], [0, 1, 1, 1], [], []>, transpose_lhs_hint = false} : vector<1000x64xf32>, vector<1000x1xf32>, vector<64x1xf32> -> vector<64x1xf32>
    %eq3A_54 = arith.constant 0 : i32
    %eq3A_55 = arith.cmpi eq, %arg0, %eq3A_54 : i32
    %convert_element_type3A_56 = arith.extui %eq3A_55 : i1 to i32
    %cond3A = arith.constant 0 : i32
    %cond3A_57 = arith.cmpi ne, %convert_element_type3A_56, %cond3A : i32
    scf.if %cond3A_57 {
      %swap3A = arith.constant 0 : index
      %swap3A_67 = arith.constant 0 : index
      %swap3A_68 = vector.load %arg11[%swap3A, %swap3A_67] : memref<64x64xf32, #tpu.memory_space<vmem>>, vector<64x64xf32>
      tpu.vector_store %arg11[%swap3A, %swap3A_67], %dot_general3A_49 {strides = array<i32>} : memref<64x64xf32, #tpu.memory_space<vmem>>, vector<64x64xf32>,
      %swap3A_69 = arith.constant 0 : index
      %swap3A_70 = arith.constant 0 : index
      %swap3A_71 = vector.load %arg12[%swap3A_69, %swap3A_70] : memref<64x1xf32, #tpu.memory_space<vmem>>, vector<64x1xf32>
      tpu.vector_store %arg12[%swap3A_69, %swap3A_70], %dot_general3A_53 {strides = array<i32>} : memref<64x1xf32, #tpu.memory_space<vmem>>, vector<64x1xf32>,
    } else {
    }
    %gt3A = arith.constant 0 : i32
    %gt3A_58 = arith.cmpi sgt, %arg0, %gt3A : i32
    %convert_element_type3A_59 = arith.extui %gt3A_58 : i1 to i32
    %cond3A_60 = arith.constant 0 : i32
    %cond3A_61 = arith.cmpi ne, %convert_element_type3A_59, %cond3A_60 : i32
    scf.if %cond3A_61 {
      %get3A_67 = arith.constant 0 : index
      %get3A_68 = arith.constant 0 : index
      %get3A_69 = vector.load %arg11[%get3A_67, %get3A_68] : memref<64x64xf32, #tpu.memory_space<vmem>>, vector<64x64xf32>
      %add3A_70 = arith.addf %get3A_69, %dot_general3A_49 : vector<64x64xf32>
      %swap3A = arith.constant 0 : index
      %swap3A_71 = arith.constant 0 : index
      %swap3A_72 = vector.load %arg11[%swap3A, %swap3A_71] : memref<64x64xf32, #tpu.memory_space<vmem>>, vector<64x64xf32>
      tpu.vector_store %arg11[%swap3A, %swap3A_71], %add3A_70 {strides = array<i32>} : memref<64x64xf32, #tpu.memory_space<vmem>>, vector<64x64xf32>,
      %get3A_73 = arith.constant 0 : index
      %get3A_74 = arith.constant 0 : index
      %get3A_75 = vector.load %arg12[%get3A_73, %get3A_74] : memref<64x1xf32, #tpu.memory_space<vmem>>, vector<64x1xf32>
      %add3A_76 = arith.addf %get3A_75, %dot_general3A_53 : vector<64x1xf32>
      %swap3A_77 = arith.constant 0 : index
      %swap3A_78 = arith.constant 0 : index
      %swap3A_79 = vector.load %arg12[%swap3A_77, %swap3A_78] : memref<64x1xf32, #tpu.memory_space<vmem>>, vector<64x1xf32>
      tpu.vector_store %arg12[%swap3A_77, %swap3A_78], %add3A_76 {strides = array<i32>} : memref<64x1xf32, #tpu.memory_space<vmem>>, vector<64x1xf32>,
    } else {
    }
    %eq3A_62 = arith.constant 49 : i32
    %eq3A_63 = arith.cmpi eq, %arg0, %eq3A_62 : i32
    %convert_element_type3A_64 = arith.extui %eq3A_63 : i1 to i32
    %cond3A_65 = arith.constant 0 : i32
    %cond3A_66 = arith.cmpi ne, %convert_element_type3A_64, %cond3A_65 : i32
    scf.if %cond3A_66 {
      %get3A_67 = arith.constant 0 : index
      %get3A_68 = arith.constant 0 : index
      %get3A_69 = vector.load %arg11[%get3A_67, %get3A_68] : memref<64x64xf32, #tpu.memory_space<vmem>>, vector<64x64xf32>
      %get3A_70 = arith.constant 0 : index
      %get3A_71 = arith.constant 0 : index
      %get3A_72 = vector.load %arg12[%get3A_70, %get3A_71] : memref<64x1xf32, #tpu.memory_space<vmem>>, vector<64x1xf32>
      %max3A_73 = arith.constant 1.000000e+00 : f32
      %max3A_74 = vector.broadcast %max3A_73 : f32 to vector<64x1xf32>
      %max3A_75 = arith.maximumf %get3A_72, %max3A_74 : vector<64x1xf32>
      %div3A = vector.broadcast %max3A_75 : vector<64x1xf32> to vector<64x64xf32>
      %div3A_76 = arith.divf %get3A_69, %div3A : vector<64x64xf32>
      %get3A_77 = arith.constant 0 : index
      %get3A_78 = arith.constant 0 : index
      %get3A_79 = vector.load %arg8[%get3A_77, %get3A_78] : memref<64x1xf32, #tpu.memory_space<vmem>>, vector<64x1xf32>
      %dot_general3A_80 = arith.constant dense<0.000000e+00> : vector<64x1xf32>
      %dot_general3A_81 = tpu.matmul %div3A_76, %get3A_79, %dot_general3A_80 {dimension_numbers = #tpu.dot_dimension_numbers<[1], [0], [0], [1], [0, 0, 1, 1], [], []>, transpose_lhs_hint = false} : vector<64x64xf32>, vector<64x1xf32>, vector<64x1xf32> -> vector<64x1xf32>
      %get3A_82 = arith.constant 0 : index
      %get3A_83 = arith.constant 0 : index
      %get3A_84 = vector.load %arg9[%get3A_82, %get3A_83] : memref<1x1xf32, #tpu.memory_space<vmem>>, vector<1x1xf32>
      %add3A_85 = vector.broadcast %get3A_84 : vector<1x1xf32> to vector<64x1xf32>
      %add3A_86 = arith.addf %dot_general3A_81, %add3A_85 : vector<64x1xf32>
      %swap3A = arith.constant 0 : index
      %swap3A_87 = arith.constant 0 : index
      %swap3A_88 = vector.load %arg10[%swap3A, %swap3A_87] : memref<64x1xf32, #tpu.memory_space<vmem>>, vector<64x1xf32>
      tpu.vector_store %arg10[%swap3A, %swap3A_87], %add3A_86 {strides = array<i32>} : memref<64x1xf32, #tpu.memory_space<vmem>>, vector<64x1xf32>,
    } else {
    }
    return
  }
  func.func @transform_0(%arg0: i32) -> (i32, i32) {
    %c0_i32 = arith.constant 0 : i32
    %c0_i32_0 = arith.constant 0 : i32
    return %arg0, %c0_i32 : i32, i32
  }
  func.func @transform_1(%arg0: i32) -> (i32, i32, i32) {
    %c0_i32 = arith.constant 0 : i32
    %c0_i32_0 = arith.constant 0 : i32
    %c0_i32_1 = arith.constant 0 : i32
    return %c0_i32, %arg0, %c0_i32_0 : i32, i32, i32
  }
  func.func @transform_2(%arg0: i32) -> (i32, i32, i32) {
    %c0_i32 = arith.constant 0 : i32
    %c0_i32_0 = arith.constant 0 : i32
    %c0_i32_1 = arith.constant 0 : i32
    return %arg0, %c0_i32, %c0_i32_0 : i32, i32, i32
  }
  func.func @transform_3(%arg0: i32) -> (i32, i32) {
    %c0_i32 = arith.constant 0 : i32
    %c0_i32_0 = arith.constant 0 : i32
    %c0_i32_1 = arith.constant 0 : i32
    return %c0_i32, %c0_i32_0 : i32, i32
  }
  func.func @transform_4(%arg0: i32) -> (i32, i32) {
    %c0_i32 = arith.constant 0 : i32
    %c0_i32_0 = arith.constant 0 : i32
    %c0_i32_1 = arith.constant 0 : i32
    return %c0_i32, %c0_i32_0 : i32, i32
  }
  func.func @transform_5(%arg0: i32) -> (i32, i32) {
    %c0_i32 = arith.constant 0 : i32
    %c0_i32_0 = arith.constant 0 : i32
    %c0_i32_1 = arith.constant 0 : i32
    return %c0_i32, %c0_i32_0 : i32, i32
  }
  func.func @transform_6(%arg0: i32) -> (i32, i32) {
    %c0_i32 = arith.constant 0 : i32
    %c0_i32_0 = arith.constant 0 : i32
    %c0_i32_1 = arith.constant 0 : i32
    return %c0_i32, %c0_i32_0 : i32, i32
  }
  func.func @transform_7(%arg0: i32) -> (i32, i32) {
    %c0_i32 = arith.constant 0 : i32
    %c0_i32_0 = arith.constant 0 : i32
    %c0_i32_1 = arith.constant 0 : i32
    return %c0_i32, %c0_i32_0 : i32, i32
  }
  func.func @transform_8(%arg0: i32) -> (i32, i32) {
    %c0_i32 = arith.constant 0 : i32
    %c0_i32_0 = arith.constant 0 : i32
    %c0_i32_1 = arith.constant 0 : i32
    return %c0_i32, %c0_i32_0 : i32, i32
  }
  func.func @transform_9(%arg0: i32) -> (i32, i32) {
    %c0_i32 = arith.constant 0 : i32
    %c0_i32_0 = arith.constant 0 : i32
    %c0_i32_1 = arith.constant 0 : i32
    return %c0_i32, %c0_i32_0 : i32, i32
  }
}

</mosaic_0001>

<sc_bundles>
// kernel: kernel.5.cloned.1.call-start
scs
__scs_entry_jumppad:
0x0: {  	(pc) =	sbr.rel $0x88, $3  }
0x1: {  	(tag) =	ssettag $0x0;
	lr =	simm.s32 $0x1  }
0x2: {  	[smem:$0x3F95] =	sst lr;
	_ =	strace $0xD0000000  }
0x3: {  	_ = 	snop  }
0x4: {  	_ = 	snop  }
0x5: {  	_ = 	snop  }
0x6: {  	_ = 	snop  }
0x7: {  	_ = 	snop  }
__scs_overlays_trampoline_lowered:
0x8: {  	[smem:$0x3FA4] =	sst s0  }
0x9: {  	[smem:$0x3FA5] =	sst s1  }
0xa: {  	[smem:$0x3FA6] =	sst s2  }
0xb: {  	[smem:$0x3FA7] =	sst s3  }
0xc: {  	[smem:$0x3FA8] =	sst s4  }
0xd: {  	[smem:$0x3FA9] =	sst s5  }
0xe: {  	[smem:$0x3FAA] =	sst s6  }
0xf: {  	[smem:$0x3FAB] =	sst s7  }
0x10: {  	[smem:$0x3FAC] =	sst s8  }
0x11: {  	[smem:$0x3FAD] =	sst s9;
	s0 =	simm.s32 @!p0 $0x0  }
0x12: {  	s1 =	sld [smem:$0x3F93];
	s0 =	simm.s32 @p0 $0x1  }
0x13: {  	[smem:$0x3FAE] =	sst s0;
	s0 =	simm.s32 @!p1 $0x0  }
0x14: {  	s2 =	sld [smem:$0x3F92];
	s0 =	simm.s32 @p1 $0x1  }
0x15: {  	[smem:$0x3FAF] =	sst s0;
	s0 =	simm.s32 @!p2 $0x0  }
0x16: {  	s3 =	sld [smem:$0x3FDB];
	s0 =	simm.s32 @p2 $0x1  }
0x17: {  	s4 =	simm.s32 $0x1BF5;
	[smem:$0x3FB1] =	sst s0  }
0x18: {  	s0 =	sld [smem:$0x3F94];
	_ =	swait.ge [sflag:s4], $0x0  }
0x19: {  	s7 =	sld [smem:$0x3F95]  }
0x1a: {  	s8 =	sadd.s32 $0xFFFFE003, lr  }
0x1b: {  	s9 =	sadd.s32 $0xFFFFFEF7, lr;
	s5 =	simm.s32 $0xFFFFFFFF;
	p2 =	slt.u32 s8, $0xFFFFF086  }
0x1c: {  	p1 =	slt.u32 s9, $0xF7A;
	s5 =	simm.s32 @!p2 $0x0  }
0x1d: {  	s5 =	simm.s32 @p1 $0x1;
	p0 =	seq.s32 s7, s2  }
0x1e: {  	s7 =	smul.u32 @!p0 $0xF7A, s2;
	p2 =	seq.s32 @!p0 s5, $0x0  }
0x1f: {  	s9 =	smul.u32 $0xF7A, s1;
	s8 =	simm.s32 @!p0 $0x1BF5;
	p2 =	por !p2, p0  }
0x20: {  	[sflag:s8] =	ssyncset.s32 @!p0 $0xFFFFF086;
	s6 =	sadd.s32 @!p0 s3, s7;
	s7 =	simm.s32 @!p0 $0x108  }
0x21: {  	s3 =	sadd.s32 s3, s9;
	s6 =	sadd.s32 @!p0 $0x88, s6;
	s7 =	simm.s32 @p2 $0x1082  }
0x22: {  	[simem:s7], [sflag:s8] =	dma.local @!p0 [hbm:s6], $0xF7A  }
0x23: {  	s9 =	sor.u32 $0xD0000000, s2;
	s6 =	simm.s32 $0x108;
	_ =	swait.ge @!p0 [sflag:s8], $0x0  }
0x24: {  	s3 =	sadd.s32 $0x88, s3;
	s6 =	simm.s32 @!p1 $0x1082;
	[sflag:s4] =	ssyncset.s32 $0xFFFFF086  }
0x25: {  	[simem:s6], [sflag:s4] =	dma.local [hbm:s3], $0xF7A  }
0x26: {  	[smem:$0x3F95] =	sst s1;
	(tag) =	ssettag s2;
	_ =	strace s9  }
0x27: {  	s1 =	sld [smem:$0x3FA5]  }
0x28: {  	s2 =	sld [smem:$0x3FA6]  }
0x29: {  	s4 =	sld [smem:$0x3FA8]  }
0x2a: {  	p0 =	seq.s32 s5, $0x0;
	s5 =	sld [smem:$0x3FA9]  }
0x2b: {  	s6 =	sld [smem:$0x3FAA]  }
0x2c: {  	s7 =	sld [smem:$0x3FAB]  }
0x2d: {  	s3 =	simm.s32 $0x108;
	s8 =	sld [smem:$0x3FAC]  }
0x2e: {  	s3 =	simm.s32 @!p0 $0x1082;
	s9 =	sld [smem:$0x3FAD]  }
0x2f: {  	lr =	sadd.s32 s0, s3;
	s0 =	sld [smem:$0x3FA4]  }
0x30: {  	s3 =	sld [smem:$0x3FA7]  }
0x31: {  	[smem:$0x3FB0] =	sst s10  }
0x32: {  	s10 =	sld [smem:$0x3FAE];
	_ =	sdelay $0x3  }
0x33: {  	p0 =	seq.s32 s10, $0x1;
	s10 =	sld [smem:$0x3FB0];
	_ =	sdelay $0x3  }
0x34: {  	[smem:$0x3FB0] =	sst s10  }
0x35: {  	s10 =	sld [smem:$0x3FAF];
	_ =	sdelay $0x3  }
0x36: {  	p1 =	seq.s32 s10, $0x1;
	s10 =	sld [smem:$0x3FB0];
	_ =	sdelay $0x3  }
0x37: {  	[smem:$0x3FB0] =	sst s10  }
0x38: {  	s10 =	sld [smem:$0x3FB1]  }
0x39: {  	_ = 	snop;
	(pc) =	sbr.ind lr, $3  }
0x3a: {  	_ = 	snop  }
0x3b: {  	_ = 	snop  }
0x3c: {  	p2 =	seq.s32 s10, $0x1;
	s10 =	sld [smem:$0x3FB0]  }
0x3d: {  	_ =	shalt  }
0x3e: {  	_ =	shalt  }
0x3f: {  	_ =	shalt  }
0x40: {  	_ =	shalt  }
0x41: {  	_ =	shalt  }
0x42: {  	_ =	shalt  }
0x43: {  	_ =	shalt  }
0x44: {  	_ =	shalt  }
0x45: {  	_ =	shalt  }
0x46: {  	_ =	shalt  }
0x47: {  	_ =	shalt  }
0x48: {  	_ =	shalt  }
0x49: {  	_ =	shalt  }
0x4a: {  	_ =	shalt  }
0x4b: {  	_ =	shalt  }
0x4c: {  	_ =	shalt  }
0x4d: {  	_ =	shalt  }
0x4e: {  	_ =	shalt  }
0x4f: {  	_ =	shalt  }
0x50: {  	_ =	shalt  }
0x51: {  	_ =	shalt  }
0x52: {  	_ =	shalt  }
0x53: {  	_ =	shalt  }
0x54: {  	_ =	shalt  }
0x55: {  	_ =	shalt  }
0x56: {  	_ =	shalt  }
0x57: {  	_ =	shalt  }
0x58: {  	_ =	shalt  }
0x59: {  	_ =	shalt  }
0x5a: {  	_ =	shalt  }
0x5b: {  	_ =	shalt  }
0x5c: {  	_ =	shalt  }
0x5d: {  	_ =	shalt  }
0x5e: {  	_ =	shalt  }
0x5f: {  	_ =	shalt  }
0x60: {  	_ =	shalt  }
0x61: {  	_ =	shalt  }
0x62: {  	_ =	shalt  }
0x63: {  	_ =	shalt  }
0x64: {  	_ =	shalt  }
0x65: {  	_ =	shalt  }
0x66: {  	_ =	shalt  }
0x67: {  	_ =	shalt  }
0x68: {  	_ =	shalt  }
0x69: {  	_ =	shalt  }
0x6a: {  	_ =	shalt  }
0x6b: {  	_ =	shalt  }
0x6c: {  	_ =	shalt  }
0x6d: {  	_ =	shalt  }
0x6e: {  	_ =	shalt  }
0x6f: {  	_ =	shalt  }
0x70: {  	_ =	shalt  }
0x71: {  	_ =	shalt  }
0x72: {  	_ =	shalt  }
0x73: {  	_ =	shalt  }
0x74: {  	_ =	shalt  }
0x75: {  	_ =	shalt  }
0x76: {  	_ =	shalt  }
0x77: {  	_ =	shalt  }
0x78: {  	_ =	shalt  }
0x79: {  	_ =	shalt  }
0x7a: {  	_ =	shalt  }
0x7b: {  	_ =	shalt  }
0x7c: {  	_ =	shalt  }
0x7d: {  	_ =	shalt  }
0x7e: {  	_ =	shalt  }
0x7f: {  	_ =	shalt  }
0x80: {  	_ =	shalt  }
0x81: {  	_ =	shalt  }
0x82: {  	_ =	shalt  }
0x83: {  	_ =	shalt  }
0x84: {  	_ =	shalt  }
0x85: {  	_ =	shalt  }
0x86: {  	_ =	shalt  }
0x87: {  	_ =	shalt  }
.Lfunc_end0:
.L_simem_size_0:
called_computation_lowered:
.L_overlay_start_0:
0x88: {  	s2 =	sld [smem:$0x3FD9]  }
0x89: {  	s3 =	sld [smem:$0x3FFE];
	_ =	sdelay $0x1  }
0x8a: {  	s1 =	srdreg.scid  }
0x8b: {  	s0 =	sand.u32 $0x1, s1  }
0x8c: {  	s16 =	sshll.u32 s0, $0xA;
	s2 =	sadd.s32 s3, s2  }
0x8d: {  	s2 =	sadd.s32 s2, s16  }
0x8e: {  	[smem:$0x3FBC] =	sst s2  }
0x8f: {  	_ = 	snop  }
0x90: {  	(tm) =	ssettm $0x1  }
0x91: {  	s17 =	sld [smem:$0x3FFB];
	_ =	sdelay $0x3  }
0x92: {  	_ =	strace s17  }
0x93: {  	s2 =	sld [smem:$0x3FFC];
	_ =	sdelay $0x3  }
0x94: {  	_ =	strace s2  }
0x95: {  	s2 =	sld [smem:$0x3FFD];
	_ =	sdelay $0x3  }
0x96: {  	_ =	strace s2  }
0x97: {  	_ =	strace $0x8FFFFFFF  }
0x98: {  	s18 =	sld [smem:$0x3FDB];
	_ =	sdelay $0x1  }
0x99: {  	s19 =	simm.s32 $_scs_section_size  }
0x9a: {  	s4 =	simm.s32 $_size__tile_overlayer_lowered;
	s5 =	simm.s32 $_tile_overlayer_lowered  }
0x9b: {  	s22 =	simm.s32 $0x1BFF;
	s21 =	sshll.u32 s5, $0x1;
	s2 =	sadd.s32 s19, s18  }
0x9c: {  	s6 =	simm.s32 $0x0;
	s20 =	sshll.u32 s4, $0x1;
	s4 =	sadd.s32 s21, s2  }
0x9d: {  	[timem:s6], [sflag:s22] =	dma.local [hbm:s4], s20  }
0x9e: {  	_ =	swait.ge [sflag:s22], s20  }
0x9f: {  	s3 =	ssub.s32 $0x0, s20;
	[sflag:s22] =	ssyncset.done $0x0  }
0xa0: {  	[sflag:s22] =	ssyncadd.s32 s3;
	_ =	sdelay $0x1  }
0xa1: {  	s23 =	simm.s32 $0x1B8B  }
0xa2: {  	_ =	swait.ge [sflag:s23], $0x1  }
0xa3: {  	[sflag:s23] =	ssyncset.done $0x0  }
0xa4: {  	s25 =	simm.s32 $0x1B8E;
	s24 =	sld [smem:$0x3FFE];
	[sflag:s23] =	ssyncadd.s32 $0xFFFFFFFF  }
0xa5: {  	s26 =	simm.s32 $execute0_lowered;
	[smem:$0x3FD2] =	sst s25  }
0xa6: {  	s4 =	sshll.u32 s26, $0x1;
	_ =	strace $0x80000046;
	[dreg:$0x1] =	wrdreg $0xFFFFFFFF  }
0xa7: {  	s28 =	simm.s32 $_size_execute0_lowered;
	s2 =	sadd.s32 s2, s4;
	[dreg:$0x0] =	wrdreg $0x0  }
0xa8: {  	s4 =	sshll.u32 s28, $0x1;
	[dreg:$0x2] =	wrdreg s2  }
0xa9: {  	[dreg:$0x3] =	wrdreg s4  }
0xaa: {  	[dreg:$0x4] =	wrdreg $0xC0  }
0xab: {  	_ =	task [dreg:s6], $0x5FFFF  }
0xac: {  	[dreg:$0x1] =	wrdreg $0xFFFFFFFF  }
0xad: {  	[dreg:$0x0] =	wrdreg $0x60  }
0xae: {  	[dreg:$0x2] =	wrdreg s24  }
0xaf: {  	[dreg:$0x3] =	wrdreg $0x0  }
0xb0: {  	[dreg:$0x4] =	wrdreg $0x9  }
0xb1: {  	_ =	task.clear_ibuf [dreg:s6], $0x5FFFF;
	_ =	strace $0x90000046  }
0xb2: {  	s29 =	simm.s32 $0x9;
	_ =	strace $0x80000048  }
0xb3: {  	_ =	swait.ge [sflag:s29], $0x1  }
0xb4: {  	[sflag:s29] =	ssyncadd.s32 $0xFFFFFFFF  }
0xb5: {  	_ =	strace $0x90000048  }
0xb6: {  	_ =	sfence  }
0xb7: {  	s30 =	sld [smem:$0x0];
	_ =	sdelay $0x2  }
0xb8: {  	s31 =	sshll.u32 s1, $0xD;
	s1 =	sshrl.u32 s1, $0x2  }
0xb9: {  	s3 =	sand.u32 $0x4000, s31;
	s1 =	sadd.s32 s1, s30  }
0xba: {  	s0 =	sor.u32 s3, s0;
	s1 =	sshll.u32 s1, $0x11  }
0xbb: {  	s0 =	sor.u32 s1, s0  }
0xbc: {  	s0 =	sadd.s32 $0x8F2B, s0  }
0xbd: {  	[sflag:s0] =	ssyncadd.remote.s32 $0x1  }
0xbe: {  	_ =	sfence.sel $0xFFFF  }
0xbf: {  	[dreg:$0x0] =	wrdreg $0xFFFFFFFF;
	(pc) =	sbr.abs _section_cstart, $3  }
0xc0: {  	[dreg:$0x1] =	wrdreg $0xFFFFFFFF  }
0xc1: {  	_ =	task.clear_ibuf [dreg:s6], $0x2FFFF;
	_ =	strace $0x9FFFFFFF  }
0xc2: {  	(tm) =	ssettm $0x7FFFFFFF  }
0xc3: {  	_ =	shalt  }
tec
execute0_lowered:
.L_overlay_start_1:
0x0: {  	(tag) =	ssettag $0x1  }
0x1: {  	s0 =	rddreg [dreg:$0x0]  }
0x2: {  	s2 =	rddreg [dreg:$0x1]  }
0x3: {  	s14 =	stileid.u32;
	s3 =	simm.s32 $0x0;
	s4 =	srdreg.scid  }
0x4: {  	s28 =	simm.s32 $0x19700;
	s30 =	simm.s32 $0x1C700;
	s1 =	smul.u32 $0x1900, s14  }
0x5: {  	s31 =	simm.s32 $0x1A700;
	s29 =	simm.s32 $0x1C800;
	s5 =	smul.u32 $0x18700, s14  }
0x6: {  	[smem:$0x7FF] =	sst s3;
	s7 =	sadd.s32 $0xC4EC00, s0;
	s10 =	smul.u32 $0x190000, s14  }
0x7: {  	s4 =	sand.u32 $0x1, s4;
	s22 =	sadd.s32 $0xC4EC04, s0;
	s24 =	sadd.s32 $0xC4EC08, s0  }
0x8: {  	s20 =	sshll.u32 s14, $0x6;
	_ =	strace $0x80000047;
	s6 =	smul.u32 $0x187000, s4  }
0x9: {  	s8 =	smul.u32 $0x1900000, s4;
	s4 =	ssub.s32 $0x2, s4;
	[dreg:$0xe] =	wrdreg s20  }
0xa: {  	s1 =	sadd.s32 s1, s0;
	s9 =	sshrl.u32 s5, $0x3;
	s11 =	sshrl.u32 s4, $0x1  }
0xb: {  	s19 =	sadd.s32 s5, s2;
	s6 =	sadd.s32 s5, s6;
	s9 =	sadd.s32 s9, s0  }
0xc: {  	s8 =	sadd.s32 s10, s8;
	s4 =	ssub.s32 s4, s11;
	s26 =	sadd.s32 $0xC35C00, s1  }
0xd: {  	s18 =	sadd.s32 $0xC35C20, s1;
	[dreg:$0xd] =	wrdreg s19;
	s1 =	sadd.s32 $0xC35C40, s1  }
0xe: {  	s5 =	simm.s32 $0x1;
	s11 =	simm.s32 $0x1C880;
	[dreg:$0x7] =	wrdreg s26  }
0xf: {  	s6 =	sshrl.u32 s6, $0x3;
	s10 =	sshrl.u32 s8, $0x3;
	[dreg:$0xc] =	wrdreg s18  }
0x10: {  	s21 =	sadd.s32 $0xC00, s9;
	[dreg:$0x13] =	wrdreg s1;
	s1 =	simm.s32 $0x1B700  }
0x11: {  	s9 =	simm.s32 $0x2;
	s12 =	sadd.s32 s7, s10;
	[dreg:$0xf] =	wrdreg s21  }
0x12: {  	s6 =	sadd.s32 s6, s0;
	s23 =	sadd.s32 s10, s22;
	[dreg:$0x3] =	wrdreg s12  }
0x13: {  	s13 =	sadd.s32 s10, s24;
	s0 =	sadd.s32 $0xC4EC0C, s0;
	[dreg:$0x4] =	wrdreg s23  }
0x14: {  	s25 =	sor.u32 $0x400, s10;
	[dreg:$0x5] =	wrdreg s13;
	s10 =	sadd.s32 s10, s0  }
0x15: {  	s15 =	sadd.s32 s7, s25;
	s16 =	sadd.s32 s25, s22;
	[dreg:$0x6] =	wrdreg s10  }
0x16: {  	s17 =	sadd.s32 s25, s24;
	s0 =	sadd.s32 s25, s0;
	[dreg:$0x8] =	wrdreg s15  }
0x17: {  	s22 =	sadd.s32 $0x31A00, s6;
	s23 =	smax.u32 s4, $0x1;
	[dreg:$0x9] =	wrdreg s16  }
0x18: {  	s24 =	sor.u32 $0x4000, s8;
	s25 =	sor.u32 $0x6000, s8;
	[dreg:$0xa] =	wrdreg s17  }
0x19: {  	s6 =	simm.s32 $0x3;
	s8 =	simm.s32 $0x5;
	[dreg:$0xb] =	wrdreg s0  }
0x1a: {  	s12 =	simm.s32 $0x7;
	s13 =	simm.s32 $0x0;
	[dreg:$0x11] =	wrdreg s22  }
.Ltmp0:
0x1b: {  	s0 =	sor.u32 $0x1C06, s20;
	[dreg:$0x12] =	wrdreg s23;
	(pc) =	sbr.rel .LBB2_1-.Ltmp0, $4  }
0x1c: {  	s26 =	sshrl.u32 s25, $0x3;
	s23 =	simm.s32 $0x20;
	s25 =	simm.s32 $0x18700  }
0x1d: {  	s10 =	simm.s32 $0x4;
	[dreg:$0x10] =	wrdreg s0;
	s0 =	sshrl.u32 s24, $0x3  }
0x1e: {  	s22 =	sadd.s32 s26, s7;
	s24 =	simm.s32 $0x80;
	s26 =	simm.s32 $0x1BF00  }
0x1f: {  	s21 =	sadd.s32 s0, s7;
	s0 =	simm.s32 $0x1AF00;
	s7 =	simm.s32 $0x1C780  }
.LBB2_4:
0x20: {  	[bflag:$0x0] =	sbarrier.arrive $0xFFFF  }
0x21: {  	s4 =	rddreg [dreg:$0xe]  }
0x22: {  	s15 =	rddreg [dreg:$0x11];
	s4 =	sor.u32 $0x1C07, s4  }
0x23: {  	[hbm:s15], [sflag:s4] =	dma.local [spmem:s14], $0x30E0  }
0x24: {  	_ =	swait.ge [sflag:s12], $0x30E0  }
0x25: {  	s13 =	sadd.s32 $0x1, s13;
	s20 =	rddreg [dreg:$0x12]  }
0x26: {  	p0 =	sne.s32 s13, s20  }
.Ltmp1:
0x27: {  	_ = 	snop;
	(pc) =	sbr.rel @!p0 .LBB2_5-.Ltmp1, $3  }
0x28: {  	_ =	sdelay $0x1  }
0x29: {  	[sflag:s12] =	ssyncset.done $0x0  }
0x2a: {  	[sflag:s12] =	ssyncadd.s32 $0xFFFFCF20  }
.LBB2_1:
0x2b: {  	s4 =	rddreg [dreg:$0x3]  }
0x2c: {  	s15 =	rddreg [dreg:$0x4]  }
0x2d: {  	s16 =	rddreg [dreg:$0x5]  }
0x2e: {  	s17 =	rddreg [dreg:$0x6]  }
0x2f: {  	[tilespmem:s25], [sflag:$0x1] =	stream.strided.gather [hbm4b:s4+s23], $0x800, s24, s23, $0x38;
	[tilespmem:$0x1C900] =	vst v63  }
0x30: {  	s14 =	simm.s32 $0x18F00;
	s19 =	rddreg [dreg:$0x7]  }
0x31: {  	[tilespmem:s14], [sflag:$0x1] =	stream.strided.gather [hbm4b:s15+s23], $0x800, s24, s23, $0x38;
	[tilespmem:$0x1C900] =	vst v63  }
0x32: {  	s20 =	rddreg [dreg:$0x8]  }
0x33: {  	[tilespmem:s28], [sflag:$0x1] =	stream.strided.gather [hbm4b:s16+s23], $0x800, s24, s23, $0x38;
	[tilespmem:$0x1C900] =	vst v63  }
0x34: {  	s18 =	simm.s32 $0x19F00;
	s14 =	rddreg [dreg:$0x9]  }
0x35: {  	[tilespmem:s18], [sflag:$0x1] =	stream.strided.gather [hbm4b:s17+s23], $0x800, s24, s23, $0x38;
	[tilespmem:$0x1C900] =	vst v63  }
0x36: {  	s15 =	rddreg [dreg:$0xa]  }
0x37: {  	[tilespmem:s30], [sflag:$0x3] =	stream.linear.gather [hbm4b:s19+s3], $0x100, $0x38;
	[tilespmem:$0x1C900] =	vst v63  }
0x38: {  	s16 =	rddreg [dreg:$0xb]  }
0x39: {  	[tilespmem:s31], [sflag:$0x2] =	stream.strided.gather [hbm4b:s20+s23], $0x800, s24, s23, $0x38;
	[tilespmem:$0x1C900] =	vst v63  }
0x3a: {  	s17 =	rddreg [dreg:$0xc]  }
0x3b: {  	[tilespmem:s0], [sflag:$0x2] =	stream.strided.gather [hbm4b:s14+s23], $0x800, s24, s23, $0x38;
	[tilespmem:$0x1C900] =	vst v63  }
0x3c: {  	s18 =	rddreg [dreg:$0xd]  }
0x3d: {  	[tilespmem:s1], [sflag:$0x2] =	stream.strided.gather [hbm4b:s15+s23], $0x800, s24, s23, $0x38;
	[tilespmem:$0x1C900] =	vst v63  }
0x3e: {  	s19 =	rddreg [dreg:$0xf]  }
0x3f: {  	[tilespmem:s26], [sflag:$0x2] =	stream.strided.gather [hbm4b:s16+s23], $0x800, s24, s23, $0x38;
	[tilespmem:$0x1C900] =	vst v63  }
0x40: {  	s20 =	simm.s32 $0x6;
	s14 =	sshrl.u32 s18, $0x3;
	s15 =	rddreg [dreg:$0x10]  }
0x41: {  	[tilespmem:s29], [sflag:$0x4] =	stream.linear.gather [hbm4b:s17+s3], $0x100, $0x38;
	[tilespmem:$0x1C900] =	vst v63  }
0x42: {  	[spmem:s14], [sflag:s15] =	dma.local [hbm:s19], $0x30E0  }
0x43: {  	_ =	swait.ge [sflag:s20], $0x30E0  }
0x44: {  	[sflag:s20] =	ssyncset.done $0x0  }
0x45: {  	[sflag:s20] =	ssyncadd.s32 $0xFFFFCF20  }
0x46: {  	[bflag:$0x0] =	sbarrier.arrive $0xFFFF  }
0x47: {  	s16 =	simm.s32 $0x0;
	s20 =	rddreg [dreg:$0x13]  }
.LBB2_2:
0x48: {  	_ =	swait.ge [sflag:s5], $0x800  }
0x49: {  	[sflag:s5] =	ssyncset.done $0x0  }
0x4a: {  	[sflag:s5] =	ssyncadd.s32 $0xFFFFF800  }
0x4b: {  	_ =	swait.ge [sflag:s5], $0x800  }
0x4c: {  	[sflag:s5] =	ssyncset.done $0x0  }
0x4d: {  	[sflag:s5] =	ssyncadd.s32 $0xFFFFF800  }
0x4e: {  	_ =	swait.ge [sflag:s5], $0x800  }
0x4f: {  	[sflag:s5] =	ssyncset.done $0x0  }
0x50: {  	[sflag:s5] =	ssyncadd.s32 $0xFFFFF800  }
0x51: {  	_ =	swait.ge [sflag:s5], $0x800  }
0x52: {  	[sflag:s5] =	ssyncset.done $0x0  }
0x53: {  	[sflag:s5] =	ssyncadd.s32 $0xFFFFF800  }
0x54: {  	_ =	swait.ge [sflag:s6], $0x100  }
0x55: {  	[sflag:s6] =	ssyncset.done $0x0  }
0x56: {  	[sflag:s6] =	ssyncadd.s32 $0xFFFFFF00  }
0x57: {  	[spmem:s2] =	stream.indirect.scatter.add.f32 [tilespmem:s25], [sflag:$0x5], $0x20, s30, s24, $0xb8;
	[tilespmem:$0x1C900] =	vst v63  }
0x58: {  	_ = 	snop  }
0x59: {  	[spmem:s2] =	stream.indirect.scatter.add.f32 [tilespmem:s28], [sflag:$0x5], $0x20, s7, s24, $0xb8;
	[tilespmem:$0x1C900] =	vst v63  }
0x5a: {  	_ =	swait.ge [sflag:s8], $0x1000  }
0x5b: {  	[sflag:s8] =	ssyncset.done $0x0  }
0x5c: {  	[sflag:s8] =	ssyncadd.s32 $0xFFFFF000  }
0x5d: {  	p0 =	seq.s32 s16, $0x31800;
	_ =	swait.ge [sflag:s8], $0x1000  }
0x5e: {  	s18 =	sadd.s32 @!p0 s16, s21;
	s19 =	simm.s32 @!p0 $0x20;
	[sflag:s8] =	ssyncset.done $0x0  }
0x5f: {  	s15 =	simm.s32 @!p0 $0x80;
	s17 =	simm.s32 @!p0 $0x18700;
	[sflag:s8] =	ssyncadd.s32 $0xFFFFF000  }
0x60: {  	[tilespmem:s17], [sflag:$0x1] =	stream.strided.gather @!p0 [hbm4b:s18+s19], $0x800, s15, s19, $0x38;
	[tilespmem:$0x1C900] =	vst v63  }
0x61: {  	s4 =	simm.s32 @!p0 $0x18F00;
	s17 =	sadd.s32 @!p0 $0x4, s18  }
0x62: {  	[tilespmem:s4], [sflag:$0x1] =	stream.strided.gather @!p0 [hbm4b:s17+s19], $0x800, s15, s19, $0x38;
	[tilespmem:$0x1C900] =	vst v63  }
0x63: {  	s4 =	sadd.s32 @!p0 $0x8, s18;
	s17 =	simm.s32 @!p0 $0x19700  }
0x64: {  	[tilespmem:s17], [sflag:$0x1] =	stream.strided.gather @!p0 [hbm4b:s4+s19], $0x800, s15, s19, $0x38;
	[tilespmem:$0x1C900] =	vst v63  }
0x65: {  	s4 =	sadd.s32 @!p0 $0xC, s18;
	s17 =	simm.s32 @!p0 $0x19F00  }
0x66: {  	[tilespmem:s17], [sflag:$0x1] =	stream.strided.gather @!p0 [hbm4b:s4+s19], $0x800, s15, s19, $0x38;
	[tilespmem:$0x1C900] =	vst v63  }
0x67: {  	s4 =	simm.s32 @!p0 $0x0;
	s15 =	simm.s32 @!p0 $0x1C700  }
0x68: {  	[tilespmem:s15], [sflag:$0x3] =	stream.linear.gather @!p0 [hbm4b:s20+s4], $0x100, $0x38;
	[tilespmem:$0x1C900] =	vst v63  }
0x69: {  	_ =	swait.ge [sflag:s9], $0x800  }
0x6a: {  	[sflag:s9] =	ssyncset.done $0x0  }
0x6b: {  	[sflag:s9] =	ssyncadd.s32 $0xFFFFF800  }
0x6c: {  	_ =	swait.ge [sflag:s9], $0x800  }
0x6d: {  	[sflag:s9] =	ssyncset.done $0x0  }
0x6e: {  	[sflag:s9] =	ssyncadd.s32 $0xFFFFF800  }
0x6f: {  	_ =	swait.ge [sflag:s9], $0x800  }
0x70: {  	[sflag:s9] =	ssyncset.done $0x0  }
0x71: {  	[sflag:s9] =	ssyncadd.s32 $0xFFFFF800  }
0x72: {  	_ =	swait.ge [sflag:s9], $0x800  }
0x73: {  	[sflag:s9] =	ssyncset.done $0x0  }
0x74: {  	[sflag:s9] =	ssyncadd.s32 $0xFFFFF800  }
0x75: {  	_ =	swait.ge [sflag:s10], $0x100  }
0x76: {  	[sflag:s10] =	ssyncset.done $0x0  }
0x77: {  	[sflag:s10] =	ssyncadd.s32 $0xFFFFFF00  }
0x78: {  	[spmem:s2] =	stream.indirect.scatter.add.f32 [tilespmem:s31], [sflag:$0x5], $0x20, s29, s24, $0xb8;
	[tilespmem:$0x1C900] =	vst v63  }
0x79: {  	_ = 	snop  }
0x7a: {  	[spmem:s2] =	stream.indirect.scatter.add.f32 [tilespmem:s1], [sflag:$0x5], $0x20, s11, s24, $0xb8;
	[tilespmem:$0x1C900] =	vst v63  }
0x7b: {  	_ =	swait.ge [sflag:s8], $0x1000  }
.Ltmp2:
0x7c: {  	[sflag:s8] =	ssyncset.done $0x0;
	(pc) =	sbr.rel @p0 .LBB2_4-.Ltmp2, $4  }
0x7d: {  	[sflag:s8] =	ssyncadd.s32 $0xFFFFF000  }
0x7e: {  	_ =	swait.ge [sflag:s8], $0x1000  }
0x7f: {  	[sflag:s8] =	ssyncset.done $0x0  }
0x80: {  	[sflag:s8] =	ssyncadd.s32 $0xFFFFF000  }
0x81: {  	s4 =	sadd.s32 s16, s22  }
0x82: {  	[tilespmem:s31], [sflag:$0x2] =	stream.strided.gather [hbm4b:s4+s23], $0x800, s24, s23, $0x38;
	[tilespmem:$0x1C900] =	vst v63  }
0x83: {  	s15 =	sadd.s32 $0x4, s4  }
0x84: {  	[tilespmem:s0], [sflag:$0x2] =	stream.strided.gather [hbm4b:s15+s23], $0x800, s24, s23, $0x38;
	[tilespmem:$0x1C900] =	vst v63  }
0x85: {  	s18 =	sadd.s32 $0x8, s4  }
0x86: {  	[tilespmem:s1], [sflag:$0x2] =	stream.strided.gather [hbm4b:s18+s23], $0x800, s24, s23, $0x38;
	[tilespmem:$0x1C900] =	vst v63  }
.Ltmp3:
0x87: {  	_ = 	snop;
	(pc) =	sbr.rel .LBB2_2-.Ltmp3, $4  }
0x88: {  	s4 =	sadd.s32 $0xC, s4  }
0x89: {  	[tilespmem:s26], [sflag:$0x2] =	stream.strided.gather [hbm4b:s4+s23], $0x800, s24, s23, $0x38;
	[tilespmem:$0x1C900] =	vst v63  }
0x8a: {  	s19 =	sadd.s32 $0x20, s20;
	s20 =	sadd.s32 $0x40, s20;
	s16 =	sadd.s32 $0x800, s16  }
0x8b: {  	[tilespmem:s29], [sflag:$0x4] =	stream.linear.gather [hbm4b:s19+s3], $0x100, $0x38;
	[tilespmem:$0x1C900] =	vst v63  }
.LBB2_5:
0x8c: {  	_ =	sfence.sel $0x180000  }
0x8d: {  	[bflag:$0x0] =	sbarrier.arrive $0xFFFF  }
0x8e: {  	_ =	strace $0x90000047  }
0x8f: {  	s0 =	stileid.u32;
	[bflag:$0x2] =	sbarrier.arrive $0xFFFF  }
0x90: {  	p0 =	sne.s32 s0, $0x0;
	s0 =	rddreg [dreg:$0x2]  }
0x91: {  	s0 =	sadd.s32 @!p0 $0x100000, s0  }
0x92: {  	[sflag:s0] =	ssyncadd.tile.s32 @!p0 $0x1;
	_ =	shalt  }
.Lfunc_end2:
_tile_overlayer_lowered:
.L_overlay_start_2:
0x93: {  	(tag) =	ssettag $0x2  }
0x94: {  	s0 =	rddreg [dreg:$0x0];
	s2 =	stileid.u32  }
0x95: {  	s1 =	rddreg [dreg:$0x1];
	p0 =	sne.s32 s2, $0x0  }
0x96: {  	s3 =	rddreg [dreg:$0x2];
	[bflag:$0x3] =	sbarrier.arrive $0xFFFF;
	s2 =	simm.s32 @!p0 $0x1C08  }
0x97: {  	[timem:s3], [sflag:s2] =	dma.local @!p0 [hbm:s0], s1  }
0x98: {  	s0 =	simm.s32 @!p0 $0x8  }
0x99: {  	_ =	swait.ge @!p0 [sflag:s0], s1  }
0x9a: {  	s1 =	ssub.s32 @!p0 $0x0, s1;
	[sflag:s0] =	ssyncset.done @!p0 $0x0  }
0x9b: {  	[sflag:s0] =	ssyncadd.s32 @!p0 s1  }
0x9c: {  	[bflag:$0x3] =	sbarrier.arrive $0xFFFF  }
0x9d: {  	_ =	shalt  }

</sc_bundles>
